<compile_context>
chip_gen: v7x
topology: tpu7x:2x2x1
jax: 0.10.2.dev20260603
libtpu: 0.0.44.dev20260713+nightly
codegen_flags: <defaults>
</compile_context>

<pallas_src>
import functools

import jax
import jax.numpy as jnp
from jax import lax
from jax.experimental import pallas as pl
from jax.experimental.pallas import tpu as pltpu
from jax.experimental.pallas import tpu_sc as plsc

B = 16384
F = 26
D = 32
V = 1000000
N = B * F

_INFO = plsc.get_sparse_core_info()
NC = _INFO.num_cores
NS = _INFO.num_subcores
NW = NC * NS
L = 16
PER_W = N // NW
CHUNK = 128
NCHUNK = PER_W // CHUNK
NBUF = 4
NGROUP = NCHUNK // NBUF
KBLK = CHUNK // L

assert PER_W * NW == N and NCHUNK * CHUNK == PER_W and NGROUP * NBUF == NCHUNK

_mesh = plsc.VectorSubcoreMesh(core_axis_name="c", subcore_axis_name="s")


@functools.partial(
    pl.kernel,
    mesh=_mesh,
    out_type=jax.ShapeDtypeStruct((N, 128), jnp.float32),
    compiler_params=pltpu.CompilerParams(use_tc_tiling_on_sc=True),
    scratch_types=[
        pltpu.VMEM((NCHUNK, CHUNK), jnp.int32),
        pltpu.VMEM((NBUF, CHUNK), jnp.int32),
        pltpu.VMEM((NBUF, CHUNK, 128), jnp.float32),
        pltpu.SemaphoreType.DMA((NBUF,)),
        pltpu.SemaphoreType.DMA((NBUF,)),
    ],
)
def _gather_kernel(x_hbm, s_hbm, out_hbm, idx_v, glist_v, rows_v, gsem, wsem):
    wid = lax.axis_index("s") * NC + lax.axis_index("c")
    base = wid * PER_W

    pltpu.sync_copy(x_hbm.at[pl.ds(wid * NCHUNK, NCHUNK)], idx_v)

    def start_gather(j, b):
        for k in range(KBLK):
            iv = idx_v[j, pl.ds(k * L, L)]
            glist_v[b, pl.ds(k * L, L)] = lax.shift_right_logical(iv, 2)
        pltpu.make_async_copy(
            s_hbm.at[glist_v.at[b]], rows_v.at[b], gsem.at[b]
        ).start()

    def wait_gather(b):
        pltpu.make_async_copy(
            s_hbm.at[glist_v.at[b]], rows_v.at[b], gsem.at[b]
        ).wait()

    def start_write(j, b):
        pltpu.make_async_copy(
            rows_v.at[b], out_hbm.at[pl.ds(base + j * CHUNK, CHUNK)], wsem.at[b]
        ).start()

    def wait_write(j, b):
        pltpu.make_async_copy(
            rows_v.at[b], out_hbm.at[pl.ds(base + j * CHUNK, CHUNK)], wsem.at[b]
        ).wait()

    for b in range(NBUF):
        start_gather(b, b)

    def group(g, _):
        for b in range(NBUF):
            j = g * NBUF + b
            wait_gather(b)
            start_write(j, b)
        for b in range(NBUF):
            j = g * NBUF + b
            nj = j + NBUF

            @pl.when(nj < NCHUNK)
            def _():
                wait_write(j, b)
                start_gather(nj, b)
        return _

    lax.fori_loop(0, NGROUP, group, None)

    for b in range(NBUF):
        wait_write(NCHUNK - NBUF + b, b)


def kernel(x, table):
    s = table.reshape(V // 4, 128)
    flat = x.reshape(NW * NCHUNK, CHUNK)
    wide = _gather_kernel(flat, s)
    q = jnp.bitwise_and(x.reshape(N), 3)
    cols = q[:, None] * 32 + jnp.arange(32, dtype=jnp.int32)[None, :]
    out = jnp.take_along_axis(wide, cols, axis=1)
    return out.reshape(B, F, D)

# --- scband reference (transcript-rebuilt; emitter-appended) ---
"""Pipeline reference for scband-e-65498251264139 (READ-ONLY COPY).

The authoritative reference and input builder live on the scoring server;
editing this copy changes nothing except your own understanding.
"""

import jax, jax.numpy as jnp
import numpy as np

NUM_EMBEDDINGS = 1000000
EMBEDDING_DIM = 32
BATCH = 16384
FIELDS = 26

def setup_inputs(seed: int = 0) -> dict:
    key = jax.random.key(seed)
    k_idx, k_tab = jax.random.split(key)
    x = jax.random.randint(k_idx, (BATCH, FIELDS), 0, NUM_EMBEDDINGS, dtype=jnp.int64 if jax.config.jax_enable_x64 else jnp.int32).astype(jnp.int32)
    table = jax.random.normal(k_tab, (NUM_EMBEDDINGS, EMBEDDING_DIM), dtype=jnp.float32)
    # padding_idx=0: PyTorch initializes that row to zeros
    table = table.at[0].set(0.0)
    return {"x": x, "table": table}

def reference(x, table):
    # nn.Embedding forward is a pure gather; padding_idx only affects grads
    return jnp.take(table, x, axis=0)

if __name__ == "__main__":
    import jax
    _d = setup_inputs()
    print(jax.jit(kernel)(*tuple(_d.values())))

</pallas_src>

<mosaic_0001>
#map = affine_map<(d0, d1) -> (0, 0)>
module attributes {stable_mosaic.version = 14 : i64} {
  func.func @_gather_kernel(%arg0: i32, %arg1: i32, %arg2: memref<3328x128xi32, #tpu.memory_space<hbm>>, %arg3: memref<250000x128xf32, #tpu.memory_space<hbm>>, %arg4: memref<425984x128xf32, #tpu.memory_space<hbm>>, %arg5: memref<104x128xi32, #tpu.memory_space<vmem>>, %arg6: memref<4x128xi32, #tpu.memory_space<vmem>>, %arg7: memref<4x128x128xf32, #tpu.memory_space<vmem>>, %arg8: memref<4x!tpu.dma_semaphore, #tpu.memory_space<semaphore_mem>>, %arg9: memref<4x!tpu.dma_semaphore, #tpu.memory_space<semaphore_mem>>) attributes {dimension_semantics = [#tpu.dimension_semantics<core_parallel>, #tpu.dimension_semantics<subcore_parallel>], iteration_bounds = array<i64: 2, 16>, scalar_prefetch = 0 : i64, scratch_operands = 5 : i64, tpu.core_type = #tpu.core_type<sc_vector_subcore>, window_params = [{transform_indices = #map}, {transform_indices = #map}, {transform_indices = #map}]} {
    %mul3A = arith.constant 2 : i32
    %mul3A_0 = arith.muli %arg1, %mul3A : i32
    %add3A = arith.addi %mul3A_0, %arg0 : i32
    %mul3A_1 = arith.constant 13312 : i32
    %mul3A_2 = arith.muli %add3A, %mul3A_1 : i32
    %mul3A_3 = arith.constant 104 : i32
    %mul3A_4 = arith.muli %add3A, %mul3A_3 : i32
    "tpu.region"() ({
      %run_scoped3A = tpu.sem_alloc : memref<!tpu.dma_semaphore, #tpu.memory_space<semaphore_mem>>
      %dma_start3A_584 = arith.constant 0 : i32
      %dma_start3A_585 = tpu.memref_slice %arg2[%mul3A_4, %dma_start3A_584] : memref<3328x128xi32, #tpu.memory_space<hbm>> -> memref<104x128xi32, #tpu.memory_space<hbm>>
      %dma_start3A_586 = arith.constant 0 : i32
      %dma_start3A_587 = tpu.memref_slice %arg2[%mul3A_4, %dma_start3A_586] : memref<3328x128xi32, #tpu.memory_space<hbm>> -> memref<104x128xi32, #tpu.memory_space<hbm>>
      tpu.enqueue_dma source(%dma_start3A_587 : memref<104x128xi32, #tpu.memory_space<hbm>>) target(%arg5 : memref<104x128xi32, #tpu.memory_space<vmem>>) target_semaphore(%run_scoped3A : memref<!tpu.dma_semaphore, #tpu.memory_space<semaphore_mem>>)
      %dma_wait3A_588 = arith.constant 0 : i32
      %dma_wait3A_589 = tpu.memref_slice %arg2[%mul3A_4, %dma_wait3A_588] : memref<3328x128xi32, #tpu.memory_space<hbm>> -> memref<104x128xi32, #tpu.memory_space<hbm>>
      %dma_wait3A_590 = arith.constant 0 : i32
      %dma_wait3A_591 = tpu.memref_slice %arg2[%mul3A_4, %dma_wait3A_590] : memref<3328x128xi32, #tpu.memory_space<hbm>> -> memref<104x128xi32, #tpu.memory_space<hbm>>
      tpu.wait_dma2 semaphore(%run_scoped3A : memref<!tpu.dma_semaphore, #tpu.memory_space<semaphore_mem>>) src(%dma_wait3A_591 : memref<104x128xi32, #tpu.memory_space<hbm>>) dst(%arg5 : memref<104x128xi32, #tpu.memory_space<vmem>>)
      tpu.yield
    }) : () -> ()
    %get3A = arith.constant 0 : i32
    %get3A_5 = arith.index_cast %get3A : i32 to index
    %get3A_6 = arith.constant 0 : index
    %get3A_7 = tpu.vector_load %arg5[%get3A_5, %get3A_6] {strides = array<i32>} : memref<104x128xi32, #tpu.memory_space<vmem>>, vector<1x16xi32>,
    %get3A_8 = vector.shape_cast %get3A_7 : vector<1x16xi32> to vector<16xi32>
    %shift_right_logical3A = arith.constant 2 : i32
    %shift_right_logical3A_9 = vector.broadcast %shift_right_logical3A : i32 to vector<16xi32>
    %shift_right_logical3A_10 = arith.shrui %get3A_8, %shift_right_logical3A_9 : vector<16xi32>
    %swap3A = arith.constant 0 : i32
    %swap3A_11 = arith.index_cast %swap3A : i32 to index
    %swap3A_12 = arith.constant 0 : index
    %swap3A_13 = tpu.vector_load %arg6[%swap3A_11, %swap3A_12] {strides = array<i32>} : memref<4x128xi32, #tpu.memory_space<vmem>>, vector<1x16xi32>,
    %swap3A_14 = vector.shape_cast %swap3A_13 : vector<1x16xi32> to vector<16xi32>
    %swap3A_15 = vector.shape_cast %shift_right_logical3A_10 : vector<16xi32> to vector<1x16xi32>
    tpu.vector_store %arg6[%swap3A_11, %swap3A_12], %swap3A_15 {strides = array<i32>} : memref<4x128xi32, #tpu.memory_space<vmem>>, vector<1x16xi32>,
    %get3A_16 = arith.constant 0 : i32
    %get3A_17 = arith.index_cast %get3A_16 : i32 to index
    %get3A_18 = arith.constant 16 : index
    %get3A_19 = tpu.vector_load %arg5[%get3A_17, %get3A_18] {strides = array<i32>} : memref<104x128xi32, #tpu.memory_space<vmem>>, vector<1x16xi32>,
    %get3A_20 = vector.shape_cast %get3A_19 : vector<1x16xi32> to vector<16xi32>
    %shift_right_logical3A_21 = arith.constant 2 : i32
    %shift_right_logical3A_22 = vector.broadcast %shift_right_logical3A_21 : i32 to vector<16xi32>
    %shift_right_logical3A_23 = arith.shrui %get3A_20, %shift_right_logical3A_22 : vector<16xi32>
    %swap3A_24 = arith.constant 0 : i32
    %swap3A_25 = arith.index_cast %swap3A_24 : i32 to index
    %swap3A_26 = arith.constant 16 : index
    %swap3A_27 = tpu.vector_load %arg6[%swap3A_25, %swap3A_26] {strides = array<i32>} : memref<4x128xi32, #tpu.memory_space<vmem>>, vector<1x16xi32>,
    %swap3A_28 = vector.shape_cast %swap3A_27 : vector<1x16xi32> to vector<16xi32>
    %swap3A_29 = vector.shape_cast %shift_right_logical3A_23 : vector<16xi32> to vector<1x16xi32>
    tpu.vector_store %arg6[%swap3A_25, %swap3A_26], %swap3A_29 {strides = array<i32>} : memref<4x128xi32, #tpu.memory_space<vmem>>, vector<1x16xi32>,
    %get3A_30 = arith.constant 0 : i32
    %get3A_31 = arith.index_cast %get3A_30 : i32 to index
    %get3A_32 = arith.constant 32 : index
    %get3A_33 = tpu.vector_load %arg5[%get3A_31, %get3A_32] {strides = array<i32>} : memref<104x128xi32, #tpu.memory_space<vmem>>, vector<1x16xi32>,
    %get3A_34 = vector.shape_cast %get3A_33 : vector<1x16xi32> to vector<16xi32>
    %shift_right_logical3A_35 = arith.constant 2 : i32
    %shift_right_logical3A_36 = vector.broadcast %shift_right_logical3A_35 : i32 to vector<16xi32>
    %shift_right_logical3A_37 = arith.shrui %get3A_34, %shift_right_logical3A_36 : vector<16xi32>
    %swap3A_38 = arith.constant 0 : i32
    %swap3A_39 = arith.index_cast %swap3A_38 : i32 to index
    %swap3A_40 = arith.constant 32 : index
    %swap3A_41 = tpu.vector_load %arg6[%swap3A_39, %swap3A_40] {strides = array<i32>} : memref<4x128xi32, #tpu.memory_space<vmem>>, vector<1x16xi32>,
    %swap3A_42 = vector.shape_cast %swap3A_41 : vector<1x16xi32> to vector<16xi32>
    %swap3A_43 = vector.shape_cast %shift_right_logical3A_37 : vector<16xi32> to vector<1x16xi32>
    tpu.vector_store %arg6[%swap3A_39, %swap3A_40], %swap3A_43 {strides = array<i32>} : memref<4x128xi32, #tpu.memory_space<vmem>>, vector<1x16xi32>,
    %get3A_44 = arith.constant 0 : i32
    %get3A_45 = arith.index_cast %get3A_44 : i32 to index
    %get3A_46 = arith.constant 48 : index
    %get3A_47 = tpu.vector_load %arg5[%get3A_45, %get3A_46] {strides = array<i32>} : memref<104x128xi32, #tpu.memory_space<vmem>>, vector<1x16xi32>,
    %get3A_48 = vector.shape_cast %get3A_47 : vector<1x16xi32> to vector<16xi32>
    %shift_right_logical3A_49 = arith.constant 2 : i32
    %shift_right_logical3A_50 = vector.broadcast %shift_right_logical3A_49 : i32 to vector<16xi32>
    %shift_right_logical3A_51 = arith.shrui %get3A_48, %shift_right_logical3A_50 : vector<16xi32>
    %swap3A_52 = arith.constant 0 : i32
    %swap3A_53 = arith.index_cast %swap3A_52 : i32 to index
    %swap3A_54 = arith.constant 48 : index
    %swap3A_55 = tpu.vector_load %arg6[%swap3A_53, %swap3A_54] {strides = array<i32>} : memref<4x128xi32, #tpu.memory_space<vmem>>, vector<1x16xi32>,
    %swap3A_56 = vector.shape_cast %swap3A_55 : vector<1x16xi32> to vector<16xi32>
    %swap3A_57 = vector.shape_cast %shift_right_logical3A_51 : vector<16xi32> to vector<1x16xi32>
    tpu.vector_store %arg6[%swap3A_53, %swap3A_54], %swap3A_57 {strides = array<i32>} : memref<4x128xi32, #tpu.memory_space<vmem>>, vector<1x16xi32>,
    %get3A_58 = arith.constant 0 : i32
    %get3A_59 = arith.index_cast %get3A_58 : i32 to index
    %get3A_60 = arith.constant 64 : index
    %get3A_61 = tpu.vector_load %arg5[%get3A_59, %get3A_60] {strides = array<i32>} : memref<104x128xi32, #tpu.memory_space<vmem>>, vector<1x16xi32>,
    %get3A_62 = vector.shape_cast %get3A_61 : vector<1x16xi32> to vector<16xi32>
    %shift_right_logical3A_63 = arith.constant 2 : i32
    %shift_right_logical3A_64 = vector.broadcast %shift_right_logical3A_63 : i32 to vector<16xi32>
    %shift_right_logical3A_65 = arith.shrui %get3A_62, %shift_right_logical3A_64 : vector<16xi32>
    %swap3A_66 = arith.constant 0 : i32
    %swap3A_67 = arith.index_cast %swap3A_66 : i32 to index
    %swap3A_68 = arith.constant 64 : index
    %swap3A_69 = tpu.vector_load %arg6[%swap3A_67, %swap3A_68] {strides = array<i32>} : memref<4x128xi32, #tpu.memory_space<vmem>>, vector<1x16xi32>,
    %swap3A_70 = vector.shape_cast %swap3A_69 : vector<1x16xi32> to vector<16xi32>
    %swap3A_71 = vector.shape_cast %shift_right_logical3A_65 : vector<16xi32> to vector<1x16xi32>
    tpu.vector_store %arg6[%swap3A_67, %swap3A_68], %swap3A_71 {strides = array<i32>} : memref<4x128xi32, #tpu.memory_space<vmem>>, vector<1x16xi32>,
    %get3A_72 = arith.constant 0 : i32
    %get3A_73 = arith.index_cast %get3A_72 : i32 to index
    %get3A_74 = arith.constant 80 : index
    %get3A_75 = tpu.vector_load %arg5[%get3A_73, %get3A_74] {strides = array<i32>} : memref<104x128xi32, #tpu.memory_space<vmem>>, vector<1x16xi32>,
    %get3A_76 = vector.shape_cast %get3A_75 : vector<1x16xi32> to vector<16xi32>
    %shift_right_logical3A_77 = arith.constant 2 : i32
    %shift_right_logical3A_78 = vector.broadcast %shift_right_logical3A_77 : i32 to vector<16xi32>
    %shift_right_logical3A_79 = arith.shrui %get3A_76, %shift_right_logical3A_78 : vector<16xi32>
    %swap3A_80 = arith.constant 0 : i32
    %swap3A_81 = arith.index_cast %swap3A_80 : i32 to index
    %swap3A_82 = arith.constant 80 : index
    %swap3A_83 = tpu.vector_load %arg6[%swap3A_81, %swap3A_82] {strides = array<i32>} : memref<4x128xi32, #tpu.memory_space<vmem>>, vector<1x16xi32>,
    %swap3A_84 = vector.shape_cast %swap3A_83 : vector<1x16xi32> to vector<16xi32>
    %swap3A_85 = vector.shape_cast %shift_right_logical3A_79 : vector<16xi32> to vector<1x16xi32>
    tpu.vector_store %arg6[%swap3A_81, %swap3A_82], %swap3A_85 {strides = array<i32>} : memref<4x128xi32, #tpu.memory_space<vmem>>, vector<1x16xi32>,
    %get3A_86 = arith.constant 0 : i32
    %get3A_87 = arith.index_cast %get3A_86 : i32 to index
    %get3A_88 = arith.constant 96 : index
    %get3A_89 = tpu.vector_load %arg5[%get3A_87, %get3A_88] {strides = array<i32>} : memref<104x128xi32, #tpu.memory_space<vmem>>, vector<1x16xi32>,
    %get3A_90 = vector.shape_cast %get3A_89 : vector<1x16xi32> to vector<16xi32>
    %shift_right_logical3A_91 = arith.constant 2 : i32
    %shift_right_logical3A_92 = vector.broadcast %shift_right_logical3A_91 : i32 to vector<16xi32>
    %shift_right_logical3A_93 = arith.shrui %get3A_90, %shift_right_logical3A_92 : vector<16xi32>
    %swap3A_94 = arith.constant 0 : i32
    %swap3A_95 = arith.index_cast %swap3A_94 : i32 to index
    %swap3A_96 = arith.constant 96 : index
    %swap3A_97 = tpu.vector_load %arg6[%swap3A_95, %swap3A_96] {strides = array<i32>} : memref<4x128xi32, #tpu.memory_space<vmem>>, vector<1x16xi32>,
    %swap3A_98 = vector.shape_cast %swap3A_97 : vector<1x16xi32> to vector<16xi32>
    %swap3A_99 = vector.shape_cast %shift_right_logical3A_93 : vector<16xi32> to vector<1x16xi32>
    tpu.vector_store %arg6[%swap3A_95, %swap3A_96], %swap3A_99 {strides = array<i32>} : memref<4x128xi32, #tpu.memory_space<vmem>>, vector<1x16xi32>,
    %get3A_100 = arith.constant 0 : i32
    %get3A_101 = arith.index_cast %get3A_100 : i32 to index
    %get3A_102 = arith.constant 112 : index
    %get3A_103 = tpu.vector_load %arg5[%get3A_101, %get3A_102] {strides = array<i32>} : memref<104x128xi32, #tpu.memory_space<vmem>>, vector<1x16xi32>,
    %get3A_104 = vector.shape_cast %get3A_103 : vector<1x16xi32> to vector<16xi32>
    %shift_right_logical3A_105 = arith.constant 2 : i32
    %shift_right_logical3A_106 = vector.broadcast %shift_right_logical3A_105 : i32 to vector<16xi32>
    %shift_right_logical3A_107 = arith.shrui %get3A_104, %shift_right_logical3A_106 : vector<16xi32>
    %swap3A_108 = arith.constant 0 : i32
    %swap3A_109 = arith.index_cast %swap3A_108 : i32 to index
    %swap3A_110 = arith.constant 112 : index
    %swap3A_111 = tpu.vector_load %arg6[%swap3A_109, %swap3A_110] {strides = array<i32>} : memref<4x128xi32, #tpu.memory_space<vmem>>, vector<1x16xi32>,
    %swap3A_112 = vector.shape_cast %swap3A_111 : vector<1x16xi32> to vector<16xi32>
    %swap3A_113 = vector.shape_cast %shift_right_logical3A_107 : vector<16xi32> to vector<1x16xi32>
    tpu.vector_store %arg6[%swap3A_109, %swap3A_110], %swap3A_113 {strides = array<i32>} : memref<4x128xi32, #tpu.memory_space<vmem>>, vector<1x16xi32>,
    %dma_start3A = arith.constant 0 : i32
    %dma_start3A_114 = arith.constant 0 : i32
    %dma_start3A_115 = arith.constant 0 : i32
    %dma_start3A_116 = arith.constant 0 : i32
    %dma_start3A_117 = arith.constant 0 : i32
    %dma_start3A_118 = tpu.memref_slice %arg7[%dma_start3A_114, %dma_start3A_116, %dma_start3A_117] : memref<4x128x128xf32, #tpu.memory_space<vmem>> -> memref<1x128x128xf32, #tpu.memory_space<vmem>>
    %dma_start3A_119 = tpu.memref_squeeze %dma_start3A_118 : memref<1x128x128xf32, #tpu.memory_space<vmem>> -> memref<128x128xf32, #tpu.memory_space<vmem>>
    %dma_start3A_120 = arith.constant 0 : i32
    %dma_start3A_121 = tpu.memref_slice %arg6[%dma_start3A, %dma_start3A_120] : memref<4x128xi32, #tpu.memory_space<vmem>> -> memref<1x128xi32, #tpu.memory_space<vmem>>
    %dma_start3A_122 = tpu.memref_squeeze %dma_start3A_121 : memref<1x128xi32, #tpu.memory_space<vmem>> -> memref<128xi32, #tpu.memory_space<vmem>>
    %dma_start3A_123 = arith.constant 0 : i32
    %dma_start3A_124 = arith.constant 0 : i32
    %dma_start3A_125 = tpu.memref_slice %arg3[%dma_start3A_123, %dma_start3A_124] : memref<250000x128xf32, #tpu.memory_space<hbm>> -> memref<250000x128xf32, #tpu.memory_space<hbm>>
    %dma_start3A_126 = tpu.memref_slice %arg8[%dma_start3A_115] : memref<4x!tpu.dma_semaphore, #tpu.memory_space<semaphore_mem>> -> memref<1x!tpu.dma_semaphore, #tpu.memory_space<semaphore_mem>>
    %dma_start3A_127 = tpu.memref_squeeze %dma_start3A_126 : memref<1x!tpu.dma_semaphore, #tpu.memory_space<semaphore_mem>> -> memref<!tpu.dma_semaphore, #tpu.memory_space<semaphore_mem>>
    tpu.enqueue_indirect_dma source(%dma_start3A_125 : memref<250000x128xf32, #tpu.memory_space<hbm>>) target(%dma_start3A_119 : memref<128x128xf32, #tpu.memory_space<vmem>>) offsets(%dma_start3A_122 : memref<128xi32, #tpu.memory_space<vmem>>) semaphore(%dma_start3A_127 : memref<!tpu.dma_semaphore, #tpu.memory_space<semaphore_mem>>)
    %get3A_128 = arith.constant 1 : i32
    %get3A_129 = arith.index_cast %get3A_128 : i32 to index
    %get3A_130 = arith.constant 0 : index
    %get3A_131 = tpu.vector_load %arg5[%get3A_129, %get3A_130] {strides = array<i32>} : memref<104x128xi32, #tpu.memory_space<vmem>>, vector<1x16xi32>,
    %get3A_132 = vector.shape_cast %get3A_131 : vector<1x16xi32> to vector<16xi32>
    %shift_right_logical3A_133 = arith.constant 2 : i32
    %shift_right_logical3A_134 = vector.broadcast %shift_right_logical3A_133 : i32 to vector<16xi32>
    %shift_right_logical3A_135 = arith.shrui %get3A_132, %shift_right_logical3A_134 : vector<16xi32>
    %swap3A_136 = arith.constant 1 : i32
    %swap3A_137 = arith.index_cast %swap3A_136 : i32 to index
    %swap3A_138 = arith.constant 0 : index
    %swap3A_139 = tpu.vector_load %arg6[%swap3A_137, %swap3A_138] {strides = array<i32>} : memref<4x128xi32, #tpu.memory_space<vmem>>, vector<1x16xi32>,
    %swap3A_140 = vector.shape_cast %swap3A_139 : vector<1x16xi32> to vector<16xi32>
    %swap3A_141 = vector.shape_cast %shift_right_logical3A_135 : vector<16xi32> to vector<1x16xi32>
    tpu.vector_store %arg6[%swap3A_137, %swap3A_138], %swap3A_141 {strides = array<i32>} : memref<4x128xi32, #tpu.memory_space<vmem>>, vector<1x16xi32>,
    %get3A_142 = arith.constant 1 : i32
    %get3A_143 = arith.index_cast %get3A_142 : i32 to index
    %get3A_144 = arith.constant 16 : index
    %get3A_145 = tpu.vector_load %arg5[%get3A_143, %get3A_144] {strides = array<i32>} : memref<104x128xi32, #tpu.memory_space<vmem>>, vector<1x16xi32>,
    %get3A_146 = vector.shape_cast %get3A_145 : vector<1x16xi32> to vector<16xi32>
    %shift_right_logical3A_147 = arith.constant 2 : i32
    %shift_right_logical3A_148 = vector.broadcast %shift_right_logical3A_147 : i32 to vector<16xi32>
    %shift_right_logical3A_149 = arith.shrui %get3A_146, %shift_right_logical3A_148 : vector<16xi32>
    %swap3A_150 = arith.constant 1 : i32
    %swap3A_151 = arith.index_cast %swap3A_150 : i32 to index
    %swap3A_152 = arith.constant 16 : index
    %swap3A_153 = tpu.vector_load %arg6[%swap3A_151, %swap3A_152] {strides = array<i32>} : memref<4x128xi32, #tpu.memory_space<vmem>>, vector<1x16xi32>,
    %swap3A_154 = vector.shape_cast %swap3A_153 : vector<1x16xi32> to vector<16xi32>
    %swap3A_155 = vector.shape_cast %shift_right_logical3A_149 : vector<16xi32> to vector<1x16xi32>
    tpu.vector_store %arg6[%swap3A_151, %swap3A_152], %swap3A_155 {strides = array<i32>} : memref<4x128xi32, #tpu.memory_space<vmem>>, vector<1x16xi32>,
    %get3A_156 = arith.constant 1 : i32
    %get3A_157 = arith.index_cast %get3A_156 : i32 to index
    %get3A_158 = arith.constant 32 : index
    %get3A_159 = tpu.vector_load %arg5[%get3A_157, %get3A_158] {strides = array<i32>} : memref<104x128xi32, #tpu.memory_space<vmem>>, vector<1x16xi32>,
    %get3A_160 = vector.shape_cast %get3A_159 : vector<1x16xi32> to vector<16xi32>
    %shift_right_logical3A_161 = arith.constant 2 : i32
    %shift_right_logical3A_162 = vector.broadcast %shift_right_logical3A_161 : i32 to vector<16xi32>
    %shift_right_logical3A_163 = arith.shrui %get3A_160, %shift_right_logical3A_162 : vector<16xi32>
    %swap3A_164 = arith.constant 1 : i32
    %swap3A_165 = arith.index_cast %swap3A_164 : i32 to index
    %swap3A_166 = arith.constant 32 : index
    %swap3A_167 = tpu.vector_load %arg6[%swap3A_165, %swap3A_166] {strides = array<i32>} : memref<4x128xi32, #tpu.memory_space<vmem>>, vector<1x16xi32>,
    %swap3A_168 = vector.shape_cast %swap3A_167 : vector<1x16xi32> to vector<16xi32>
    %swap3A_169 = vector.shape_cast %shift_right_logical3A_163 : vector<16xi32> to vector<1x16xi32>
    tpu.vector_store %arg6[%swap3A_165, %swap3A_166], %swap3A_169 {strides = array<i32>} : memref<4x128xi32, #tpu.memory_space<vmem>>, vector<1x16xi32>,
    %get3A_170 = arith.constant 1 : i32
    %get3A_171 = arith.index_cast %get3A_170 : i32 to index
    %get3A_172 = arith.constant 48 : index
    %get3A_173 = tpu.vector_load %arg5[%get3A_171, %get3A_172] {strides = array<i32>} : memref<104x128xi32, #tpu.memory_space<vmem>>, vector<1x16xi32>,
    %get3A_174 = vector.shape_cast %get3A_173 : vector<1x16xi32> to vector<16xi32>
    %shift_right_logical3A_175 = arith.constant 2 : i32
    %shift_right_logical3A_176 = vector.broadcast %shift_right_logical3A_175 : i32 to vector<16xi32>
    %shift_right_logical3A_177 = arith.shrui %get3A_174, %shift_right_logical3A_176 : vector<16xi32>
    %swap3A_178 = arith.constant 1 : i32
    %swap3A_179 = arith.index_cast %swap3A_178 : i32 to index
    %swap3A_180 = arith.constant 48 : index
    %swap3A_181 = tpu.vector_load %arg6[%swap3A_179, %swap3A_180] {strides = array<i32>} : memref<4x128xi32, #tpu.memory_space<vmem>>, vector<1x16xi32>,
    %swap3A_182 = vector.shape_cast %swap3A_181 : vector<1x16xi32> to vector<16xi32>
    %swap3A_183 = vector.shape_cast %shift_right_logical3A_177 : vector<16xi32> to vector<1x16xi32>
    tpu.vector_store %arg6[%swap3A_179, %swap3A_180], %swap3A_183 {strides = array<i32>} : memref<4x128xi32, #tpu.memory_space<vmem>>, vector<1x16xi32>,
    %get3A_184 = arith.constant 1 : i32
    %get3A_185 = arith.index_cast %get3A_184 : i32 to index
    %get3A_186 = arith.constant 64 : index
    %get3A_187 = tpu.vector_load %arg5[%get3A_185, %get3A_186] {strides = array<i32>} : memref<104x128xi32, #tpu.memory_space<vmem>>, vector<1x16xi32>,
    %get3A_188 = vector.shape_cast %get3A_187 : vector<1x16xi32> to vector<16xi32>
    %shift_right_logical3A_189 = arith.constant 2 : i32
    %shift_right_logical3A_190 = vector.broadcast %shift_right_logical3A_189 : i32 to vector<16xi32>
    %shift_right_logical3A_191 = arith.shrui %get3A_188, %shift_right_logical3A_190 : vector<16xi32>
    %swap3A_192 = arith.constant 1 : i32
    %swap3A_193 = arith.index_cast %swap3A_192 : i32 to index
    %swap3A_194 = arith.constant 64 : index
    %swap3A_195 = tpu.vector_load %arg6[%swap3A_193, %swap3A_194] {strides = array<i32>} : memref<4x128xi32, #tpu.memory_space<vmem>>, vector<1x16xi32>,
    %swap3A_196 = vector.shape_cast %swap3A_195 : vector<1x16xi32> to vector<16xi32>
    %swap3A_197 = vector.shape_cast %shift_right_logical3A_191 : vector<16xi32> to vector<1x16xi32>
    tpu.vector_store %arg6[%swap3A_193, %swap3A_194], %swap3A_197 {strides = array<i32>} : memref<4x128xi32, #tpu.memory_space<vmem>>, vector<1x16xi32>,
    %get3A_198 = arith.constant 1 : i32
    %get3A_199 = arith.index_cast %get3A_198 : i32 to index
    %get3A_200 = arith.constant 80 : index
    %get3A_201 = tpu.vector_load %arg5[%get3A_199, %get3A_200] {strides = array<i32>} : memref<104x128xi32, #tpu.memory_space<vmem>>, vector<1x16xi32>,
    %get3A_202 = vector.shape_cast %get3A_201 : vector<1x16xi32> to vector<16xi32>
    %shift_right_logical3A_203 = arith.constant 2 : i32
    %shift_right_logical3A_204 = vector.broadcast %shift_right_logical3A_203 : i32 to vector<16xi32>
    %shift_right_logical3A_205 = arith.shrui %get3A_202, %shift_right_logical3A_204 : vector<16xi32>
    %swap3A_206 = arith.constant 1 : i32
    %swap3A_207 = arith.index_cast %swap3A_206 : i32 to index
    %swap3A_208 = arith.constant 80 : index
    %swap3A_209 = tpu.vector_load %arg6[%swap3A_207, %swap3A_208] {strides = array<i32>} : memref<4x128xi32, #tpu.memory_space<vmem>>, vector<1x16xi32>,
    %swap3A_210 = vector.shape_cast %swap3A_209 : vector<1x16xi32> to vector<16xi32>
    %swap3A_211 = vector.shape_cast %shift_right_logical3A_205 : vector<16xi32> to vector<1x16xi32>
    tpu.vector_store %arg6[%swap3A_207, %swap3A_208], %swap3A_211 {strides = array<i32>} : memref<4x128xi32, #tpu.memory_space<vmem>>, vector<1x16xi32>,
    %get3A_212 = arith.constant 1 : i32
    %get3A_213 = arith.index_cast %get3A_212 : i32 to index
    %get3A_214 = arith.constant 96 : index
    %get3A_215 = tpu.vector_load %arg5[%get3A_213, %get3A_214] {strides = array<i32>} : memref<104x128xi32, #tpu.memory_space<vmem>>, vector<1x16xi32>,
    %get3A_216 = vector.shape_cast %get3A_215 : vector<1x16xi32> to vector<16xi32>
    %shift_right_logical3A_217 = arith.constant 2 : i32
    %shift_right_logical3A_218 = vector.broadcast %shift_right_logical3A_217 : i32 to vector<16xi32>
    %shift_right_logical3A_219 = arith.shrui %get3A_216, %shift_right_logical3A_218 : vector<16xi32>
    %swap3A_220 = arith.constant 1 : i32
    %swap3A_221 = arith.index_cast %swap3A_220 : i32 to index
    %swap3A_222 = arith.constant 96 : index
    %swap3A_223 = tpu.vector_load %arg6[%swap3A_221, %swap3A_222] {strides = array<i32>} : memref<4x128xi32, #tpu.memory_space<vmem>>, vector<1x16xi32>,
    %swap3A_224 = vector.shape_cast %swap3A_223 : vector<1x16xi32> to vector<16xi32>
    %swap3A_225 = vector.shape_cast %shift_right_logical3A_219 : vector<16xi32> to vector<1x16xi32>
    tpu.vector_store %arg6[%swap3A_221, %swap3A_222], %swap3A_225 {strides = array<i32>} : memref<4x128xi32, #tpu.memory_space<vmem>>, vector<1x16xi32>,
    %get3A_226 = arith.constant 1 : i32
    %get3A_227 = arith.index_cast %get3A_226 : i32 to index
    %get3A_228 = arith.constant 112 : index
    %get3A_229 = tpu.vector_load %arg5[%get3A_227, %get3A_228] {strides = array<i32>} : memref<104x128xi32, #tpu.memory_space<vmem>>, vector<1x16xi32>,
    %get3A_230 = vector.shape_cast %get3A_229 : vector<1x16xi32> to vector<16xi32>
    %shift_right_logical3A_231 = arith.constant 2 : i32
    %shift_right_logical3A_232 = vector.broadcast %shift_right_logical3A_231 : i32 to vector<16xi32>
    %shift_right_logical3A_233 = arith.shrui %get3A_230, %shift_right_logical3A_232 : vector<16xi32>
    %swap3A_234 = arith.constant 1 : i32
    %swap3A_235 = arith.index_cast %swap3A_234 : i32 to index
    %swap3A_236 = arith.constant 112 : index
    %swap3A_237 = tpu.vector_load %arg6[%swap3A_235, %swap3A_236] {strides = array<i32>} : memref<4x128xi32, #tpu.memory_space<vmem>>, vector<1x16xi32>,
    %swap3A_238 = vector.shape_cast %swap3A_237 : vector<1x16xi32> to vector<16xi32>
    %swap3A_239 = vector.shape_cast %shift_right_logical3A_233 : vector<16xi32> to vector<1x16xi32>
    tpu.vector_store %arg6[%swap3A_235, %swap3A_236], %swap3A_239 {strides = array<i32>} : memref<4x128xi32, #tpu.memory_space<vmem>>, vector<1x16xi32>,
    %dma_start3A_240 = arith.constant 1 : i32
    %dma_start3A_241 = arith.constant 1 : i32
    %dma_start3A_242 = arith.constant 1 : i32
    %dma_start3A_243 = arith.constant 0 : i32
    %dma_start3A_244 = arith.constant 0 : i32
    %dma_start3A_245 = tpu.memref_slice %arg7[%dma_start3A_241, %dma_start3A_243, %dma_start3A_244] : memref<4x128x128xf32, #tpu.memory_space<vmem>> -> memref<1x128x128xf32, #tpu.memory_space<vmem>>
    %dma_start3A_246 = tpu.memref_squeeze %dma_start3A_245 : memref<1x128x128xf32, #tpu.memory_space<vmem>> -> memref<128x128xf32, #tpu.memory_space<vmem>>
    %dma_start3A_247 = arith.constant 0 : i32
    %dma_start3A_248 = tpu.memref_slice %arg6[%dma_start3A_240, %dma_start3A_247] : memref<4x128xi32, #tpu.memory_space<vmem>> -> memref<1x128xi32, #tpu.memory_space<vmem>>
    %dma_start3A_249 = tpu.memref_squeeze %dma_start3A_248 : memref<1x128xi32, #tpu.memory_space<vmem>> -> memref<128xi32, #tpu.memory_space<vmem>>
    %dma_start3A_250 = arith.constant 0 : i32
    %dma_start3A_251 = arith.constant 0 : i32
    %dma_start3A_252 = tpu.memref_slice %arg3[%dma_start3A_250, %dma_start3A_251] : memref<250000x128xf32, #tpu.memory_space<hbm>> -> memref<250000x128xf32, #tpu.memory_space<hbm>>
    %dma_start3A_253 = tpu.memref_slice %arg8[%dma_start3A_242] : memref<4x!tpu.dma_semaphore, #tpu.memory_space<semaphore_mem>> -> memref<1x!tpu.dma_semaphore, #tpu.memory_space<semaphore_mem>>
    %dma_start3A_254 = tpu.memref_squeeze %dma_start3A_253 : memref<1x!tpu.dma_semaphore, #tpu.memory_space<semaphore_mem>> -> memref<!tpu.dma_semaphore, #tpu.memory_space<semaphore_mem>>
    tpu.enqueue_indirect_dma source(%dma_start3A_252 : memref<250000x128xf32, #tpu.memory_space<hbm>>) target(%dma_start3A_246 : memref<128x128xf32, #tpu.memory_space<vmem>>) offsets(%dma_start3A_249 : memref<128xi32, #tpu.memory_space<vmem>>) semaphore(%dma_start3A_254 : memref<!tpu.dma_semaphore, #tpu.memory_space<semaphore_mem>>)
    %get3A_255 = arith.constant 2 : i32
    %get3A_256 = arith.index_cast %get3A_255 : i32 to index
    %get3A_257 = arith.constant 0 : index
    %get3A_258 = tpu.vector_load %arg5[%get3A_256, %get3A_257] {strides = array<i32>} : memref<104x128xi32, #tpu.memory_space<vmem>>, vector<1x16xi32>,
    %get3A_259 = vector.shape_cast %get3A_258 : vector<1x16xi32> to vector<16xi32>
    %shift_right_logical3A_260 = arith.constant 2 : i32
    %shift_right_logical3A_261 = vector.broadcast %shift_right_logical3A_260 : i32 to vector<16xi32>
    %shift_right_logical3A_262 = arith.shrui %get3A_259, %shift_right_logical3A_261 : vector<16xi32>
    %swap3A_263 = arith.constant 2 : i32
    %swap3A_264 = arith.index_cast %swap3A_263 : i32 to index
    %swap3A_265 = arith.constant 0 : index
    %swap3A_266 = tpu.vector_load %arg6[%swap3A_264, %swap3A_265] {strides = array<i32>} : memref<4x128xi32, #tpu.memory_space<vmem>>, vector<1x16xi32>,
    %swap3A_267 = vector.shape_cast %swap3A_266 : vector<1x16xi32> to vector<16xi32>
    %swap3A_268 = vector.shape_cast %shift_right_logical3A_262 : vector<16xi32> to vector<1x16xi32>
    tpu.vector_store %arg6[%swap3A_264, %swap3A_265], %swap3A_268 {strides = array<i32>} : memref<4x128xi32, #tpu.memory_space<vmem>>, vector<1x16xi32>,
    %get3A_269 = arith.constant 2 : i32
    %get3A_270 = arith.index_cast %get3A_269 : i32 to index
    %get3A_271 = arith.constant 16 : index
    %get3A_272 = tpu.vector_load %arg5[%get3A_270, %get3A_271] {strides = array<i32>} : memref<104x128xi32, #tpu.memory_space<vmem>>, vector<1x16xi32>,
    %get3A_273 = vector.shape_cast %get3A_272 : vector<1x16xi32> to vector<16xi32>
    %shift_right_logical3A_274 = arith.constant 2 : i32
    %shift_right_logical3A_275 = vector.broadcast %shift_right_logical3A_274 : i32 to vector<16xi32>
    %shift_right_logical3A_276 = arith.shrui %get3A_273, %shift_right_logical3A_275 : vector<16xi32>
    %swap3A_277 = arith.constant 2 : i32
    %swap3A_278 = arith.index_cast %swap3A_277 : i32 to index
    %swap3A_279 = arith.constant 16 : index
    %swap3A_280 = tpu.vector_load %arg6[%swap3A_278, %swap3A_279] {strides = array<i32>} : memref<4x128xi32, #tpu.memory_space<vmem>>, vector<1x16xi32>,
    %swap3A_281 = vector.shape_cast %swap3A_280 : vector<1x16xi32> to vector<16xi32>
    %swap3A_282 = vector.shape_cast %shift_right_logical3A_276 : vector<16xi32> to vector<1x16xi32>
    tpu.vector_store %arg6[%swap3A_278, %swap3A_279], %swap3A_282 {strides = array<i32>} : memref<4x128xi32, #tpu.memory_space<vmem>>, vector<1x16xi32>,
    %get3A_283 = arith.constant 2 : i32
    %get3A_284 = arith.index_cast %get3A_283 : i32 to index
    %get3A_285 = arith.constant 32 : index
    %get3A_286 = tpu.vector_load %arg5[%get3A_284, %get3A_285] {strides = array<i32>} : memref<104x128xi32, #tpu.memory_space<vmem>>, vector<1x16xi32>,
    %get3A_287 = vector.shape_cast %get3A_286 : vector<1x16xi32> to vector<16xi32>
    %shift_right_logical3A_288 = arith.constant 2 : i32
    %shift_right_logical3A_289 = vector.broadcast %shift_right_logical3A_288 : i32 to vector<16xi32>
    %shift_right_logical3A_290 = arith.shrui %get3A_287, %shift_right_logical3A_289 : vector<16xi32>
    %swap3A_291 = arith.constant 2 : i32
    %swap3A_292 = arith.index_cast %swap3A_291 : i32 to index
    %swap3A_293 = arith.constant 32 : index
    %swap3A_294 = tpu.vector_load %arg6[%swap3A_292, %swap3A_293] {strides = array<i32>} : memref<4x128xi32, #tpu.memory_space<vmem>>, vector<1x16xi32>,
    %swap3A_295 = vector.shape_cast %swap3A_294 : vector<1x16xi32> to vector<16xi32>
    %swap3A_296 = vector.shape_cast %shift_right_logical3A_290 : vector<16xi32> to vector<1x16xi32>
    tpu.vector_store %arg6[%swap3A_292, %swap3A_293], %swap3A_296 {strides = array<i32>} : memref<4x128xi32, #tpu.memory_space<vmem>>, vector<1x16xi32>,
    %get3A_297 = arith.constant 2 : i32
    %get3A_298 = arith.index_cast %get3A_297 : i32 to index
    %get3A_299 = arith.constant 48 : index
    %get3A_300 = tpu.vector_load %arg5[%get3A_298, %get3A_299] {strides = array<i32>} : memref<104x128xi32, #tpu.memory_space<vmem>>, vector<1x16xi32>,
    %get3A_301 = vector.shape_cast %get3A_300 : vector<1x16xi32> to vector<16xi32>
    %shift_right_logical3A_302 = arith.constant 2 : i32
    %shift_right_logical3A_303 = vector.broadcast %shift_right_logical3A_302 : i32 to vector<16xi32>
    %shift_right_logical3A_304 = arith.shrui %get3A_301, %shift_right_logical3A_303 : vector<16xi32>
    %swap3A_305 = arith.constant 2 : i32
    %swap3A_306 = arith.index_cast %swap3A_305 : i32 to index
    %swap3A_307 = arith.constant 48 : index
    %swap3A_308 = tpu.vector_load %arg6[%swap3A_306, %swap3A_307] {strides = array<i32>} : memref<4x128xi32, #tpu.memory_space<vmem>>, vector<1x16xi32>,
    %swap3A_309 = vector.shape_cast %swap3A_308 : vector<1x16xi32> to vector<16xi32>
    %swap3A_310 = vector.shape_cast %shift_right_logical3A_304 : vector<16xi32> to vector<1x16xi32>
    tpu.vector_store %arg6[%swap3A_306, %swap3A_307], %swap3A_310 {strides = array<i32>} : memref<4x128xi32, #tpu.memory_space<vmem>>, vector<1x16xi32>,
    %get3A_311 = arith.constant 2 : i32
    %get3A_312 = arith.index_cast %get3A_311 : i32 to index
    %get3A_313 = arith.constant 64 : index
    %get3A_314 = tpu.vector_load %arg5[%get3A_312, %get3A_313] {strides = array<i32>} : memref<104x128xi32, #tpu.memory_space<vmem>>, vector<1x16xi32>,
    %get3A_315 = vector.shape_cast %get3A_314 : vector<1x16xi32> to vector<16xi32>
    %shift_right_logical3A_316 = arith.constant 2 : i32
    %shift_right_logical3A_317 = vector.broadcast %shift_right_logical3A_316 : i32 to vector<16xi32>
    %shift_right_logical3A_318 = arith.shrui %get3A_315, %shift_right_logical3A_317 : vector<16xi32>
    %swap3A_319 = arith.constant 2 : i32
    %swap3A_320 = arith.index_cast %swap3A_319 : i32 to index
    %swap3A_321 = arith.constant 64 : index
    %swap3A_322 = tpu.vector_load %arg6[%swap3A_320, %swap3A_321] {strides = array<i32>} : memref<4x128xi32, #tpu.memory_space<vmem>>, vector<1x16xi32>,
    %swap3A_323 = vector.shape_cast %swap3A_322 : vector<1x16xi32> to vector<16xi32>
    %swap3A_324 = vector.shape_cast %shift_right_logical3A_318 : vector<16xi32> to vector<1x16xi32>
    tpu.vector_store %arg6[%swap3A_320, %swap3A_321], %swap3A_324 {strides = array<i32>} : memref<4x128xi32, #tpu.memory_space<vmem>>, vector<1x16xi32>,
    %get3A_325 = arith.constant 2 : i32
    %get3A_326 = arith.index_cast %get3A_325 : i32 to index
    %get3A_327 = arith.constant 80 : index
    %get3A_328 = tpu.vector_load %arg5[%get3A_326, %get3A_327] {strides = array<i32>} : memref<104x128xi32, #tpu.memory_space<vmem>>, vector<1x16xi32>,
    %get3A_329 = vector.shape_cast %get3A_328 : vector<1x16xi32> to vector<16xi32>
    %shift_right_logical3A_330 = arith.constant 2 : i32
    %shift_right_logical3A_331 = vector.broadcast %shift_right_logical3A_330 : i32 to vector<16xi32>
    %shift_right_logical3A_332 = arith.shrui %get3A_329, %shift_right_logical3A_331 : vector<16xi32>
    %swap3A_333 = arith.constant 2 : i32
    %swap3A_334 = arith.index_cast %swap3A_333 : i32 to index
    %swap3A_335 = arith.constant 80 : index
    %swap3A_336 = tpu.vector_load %arg6[%swap3A_334, %swap3A_335] {strides = array<i32>} : memref<4x128xi32, #tpu.memory_space<vmem>>, vector<1x16xi32>,
    %swap3A_337 = vector.shape_cast %swap3A_336 : vector<1x16xi32> to vector<16xi32>
    %swap3A_338 = vector.shape_cast %shift_right_logical3A_332 : vector<16xi32> to vector<1x16xi32>
    tpu.vector_store %arg6[%swap3A_334, %swap3A_335], %swap3A_338 {strides = array<i32>} : memref<4x128xi32, #tpu.memory_space<vmem>>, vector<1x16xi32>,
    %get3A_339 = arith.constant 2 : i32
    %get3A_340 = arith.index_cast %get3A_339 : i32 to index
    %get3A_341 = arith.constant 96 : index
    %get3A_342 = tpu.vector_load %arg5[%get3A_340, %get3A_341] {strides = array<i32>} : memref<104x128xi32, #tpu.memory_space<vmem>>, vector<1x16xi32>,
    %get3A_343 = vector.shape_cast %get3A_342 : vector<1x16xi32> to vector<16xi32>
    %shift_right_logical3A_344 = arith.constant 2 : i32
    %shift_right_logical3A_345 = vector.broadcast %shift_right_logical3A_344 : i32 to vector<16xi32>
    %shift_right_logical3A_346 = arith.shrui %get3A_343, %shift_right_logical3A_345 : vector<16xi32>
    %swap3A_347 = arith.constant 2 : i32
    %swap3A_348 = arith.index_cast %swap3A_347 : i32 to index
    %swap3A_349 = arith.constant 96 : index
    %swap3A_350 = tpu.vector_load %arg6[%swap3A_348, %swap3A_349] {strides = array<i32>} : memref<4x128xi32, #tpu.memory_space<vmem>>, vector<1x16xi32>,
    %swap3A_351 = vector.shape_cast %swap3A_350 : vector<1x16xi32> to vector<16xi32>
    %swap3A_352 = vector.shape_cast %shift_right_logical3A_346 : vector<16xi32> to vector<1x16xi32>
    tpu.vector_store %arg6[%swap3A_348, %swap3A_349], %swap3A_352 {strides = array<i32>} : memref<4x128xi32, #tpu.memory_space<vmem>>, vector<1x16xi32>,
    %get3A_353 = arith.constant 2 : i32
    %get3A_354 = arith.index_cast %get3A_353 : i32 to index
    %get3A_355 = arith.constant 112 : index
    %get3A_356 = tpu.vector_load %arg5[%get3A_354, %get3A_355] {strides = array<i32>} : memref<104x128xi32, #tpu.memory_space<vmem>>, vector<1x16xi32>,
    %get3A_357 = vector.shape_cast %get3A_356 : vector<1x16xi32> to vector<16xi32>
    %shift_right_logical3A_358 = arith.constant 2 : i32
    %shift_right_logical3A_359 = vector.broadcast %shift_right_logical3A_358 : i32 to vector<16xi32>
    %shift_right_logical3A_360 = arith.shrui %get3A_357, %shift_right_logical3A_359 : vector<16xi32>
    %swap3A_361 = arith.constant 2 : i32
    %swap3A_362 = arith.index_cast %swap3A_361 : i32 to index
    %swap3A_363 = arith.constant 112 : index
    %swap3A_364 = tpu.vector_load %arg6[%swap3A_362, %swap3A_363] {strides = array<i32>} : memref<4x128xi32, #tpu.memory_space<vmem>>, vector<1x16xi32>,
    %swap3A_365 = vector.shape_cast %swap3A_364 : vector<1x16xi32> to vector<16xi32>
    %swap3A_366 = vector.shape_cast %shift_right_logical3A_360 : vector<16xi32> to vector<1x16xi32>
    tpu.vector_store %arg6[%swap3A_362, %swap3A_363], %swap3A_366 {strides = array<i32>} : memref<4x128xi32, #tpu.memory_space<vmem>>, vector<1x16xi32>,
    %dma_start3A_367 = arith.constant 2 : i32
    %dma_start3A_368 = arith.constant 2 : i32
    %dma_start3A_369 = arith.constant 2 : i32
    %dma_start3A_370 = arith.constant 0 : i32
    %dma_start3A_371 = arith.constant 0 : i32
    %dma_start3A_372 = tpu.memref_slice %arg7[%dma_start3A_368, %dma_start3A_370, %dma_start3A_371] : memref<4x128x128xf32, #tpu.memory_space<vmem>> -> memref<1x128x128xf32, #tpu.memory_space<vmem>>
    %dma_start3A_373 = tpu.memref_squeeze %dma_start3A_372 : memref<1x128x128xf32, #tpu.memory_space<vmem>> -> memref<128x128xf32, #tpu.memory_space<vmem>>
    %dma_start3A_374 = arith.constant 0 : i32
    %dma_start3A_375 = tpu.memref_slice %arg6[%dma_start3A_367, %dma_start3A_374] : memref<4x128xi32, #tpu.memory_space<vmem>> -> memref<1x128xi32, #tpu.memory_space<vmem>>
    %dma_start3A_376 = tpu.memref_squeeze %dma_start3A_375 : memref<1x128xi32, #tpu.memory_space<vmem>> -> memref<128xi32, #tpu.memory_space<vmem>>
    %dma_start3A_377 = arith.constant 0 : i32
    %dma_start3A_378 = arith.constant 0 : i32
    %dma_start3A_379 = tpu.memref_slice %arg3[%dma_start3A_377, %dma_start3A_378] : memref<250000x128xf32, #tpu.memory_space<hbm>> -> memref<250000x128xf32, #tpu.memory_space<hbm>>
    %dma_start3A_380 = tpu.memref_slice %arg8[%dma_start3A_369] : memref<4x!tpu.dma_semaphore, #tpu.memory_space<semaphore_mem>> -> memref<1x!tpu.dma_semaphore, #tpu.memory_space<semaphore_mem>>
    %dma_start3A_381 = tpu.memref_squeeze %dma_start3A_380 : memref<1x!tpu.dma_semaphore, #tpu.memory_space<semaphore_mem>> -> memref<!tpu.dma_semaphore, #tpu.memory_space<semaphore_mem>>
    tpu.enqueue_indirect_dma source(%dma_start3A_379 : memref<250000x128xf32, #tpu.memory_space<hbm>>) target(%dma_start3A_373 : memref<128x128xf32, #tpu.memory_space<vmem>>) offsets(%dma_start3A_376 : memref<128xi32, #tpu.memory_space<vmem>>) semaphore(%dma_start3A_381 : memref<!tpu.dma_semaphore, #tpu.memory_space<semaphore_mem>>)
    %get3A_382 = arith.constant 3 : i32
    %get3A_383 = arith.index_cast %get3A_382 : i32 to index
    %get3A_384 = arith.constant 0 : index
    %get3A_385 = tpu.vector_load %arg5[%get3A_383, %get3A_384] {strides = array<i32>} : memref<104x128xi32, #tpu.memory_space<vmem>>, vector<1x16xi32>,
    %get3A_386 = vector.shape_cast %get3A_385 : vector<1x16xi32> to vector<16xi32>
    %shift_right_logical3A_387 = arith.constant 2 : i32
    %shift_right_logical3A_388 = vector.broadcast %shift_right_logical3A_387 : i32 to vector<16xi32>
    %shift_right_logical3A_389 = arith.shrui %get3A_386, %shift_right_logical3A_388 : vector<16xi32>
    %swap3A_390 = arith.constant 3 : i32
    %swap3A_391 = arith.index_cast %swap3A_390 : i32 to index
    %swap3A_392 = arith.constant 0 : index
    %swap3A_393 = tpu.vector_load %arg6[%swap3A_391, %swap3A_392] {strides = array<i32>} : memref<4x128xi32, #tpu.memory_space<vmem>>, vector<1x16xi32>,
    %swap3A_394 = vector.shape_cast %swap3A_393 : vector<1x16xi32> to vector<16xi32>
    %swap3A_395 = vector.shape_cast %shift_right_logical3A_389 : vector<16xi32> to vector<1x16xi32>
    tpu.vector_store %arg6[%swap3A_391, %swap3A_392], %swap3A_395 {strides = array<i32>} : memref<4x128xi32, #tpu.memory_space<vmem>>, vector<1x16xi32>,
    %get3A_396 = arith.constant 3 : i32
    %get3A_397 = arith.index_cast %get3A_396 : i32 to index
    %get3A_398 = arith.constant 16 : index
    %get3A_399 = tpu.vector_load %arg5[%get3A_397, %get3A_398] {strides = array<i32>} : memref<104x128xi32, #tpu.memory_space<vmem>>, vector<1x16xi32>,
    %get3A_400 = vector.shape_cast %get3A_399 : vector<1x16xi32> to vector<16xi32>
    %shift_right_logical3A_401 = arith.constant 2 : i32
    %shift_right_logical3A_402 = vector.broadcast %shift_right_logical3A_401 : i32 to vector<16xi32>
    %shift_right_logical3A_403 = arith.shrui %get3A_400, %shift_right_logical3A_402 : vector<16xi32>
    %swap3A_404 = arith.constant 3 : i32
    %swap3A_405 = arith.index_cast %swap3A_404 : i32 to index
    %swap3A_406 = arith.constant 16 : index
    %swap3A_407 = tpu.vector_load %arg6[%swap3A_405, %swap3A_406] {strides = array<i32>} : memref<4x128xi32, #tpu.memory_space<vmem>>, vector<1x16xi32>,
    %swap3A_408 = vector.shape_cast %swap3A_407 : vector<1x16xi32> to vector<16xi32>
    %swap3A_409 = vector.shape_cast %shift_right_logical3A_403 : vector<16xi32> to vector<1x16xi32>
    tpu.vector_store %arg6[%swap3A_405, %swap3A_406], %swap3A_409 {strides = array<i32>} : memref<4x128xi32, #tpu.memory_space<vmem>>, vector<1x16xi32>,
    %get3A_410 = arith.constant 3 : i32
    %get3A_411 = arith.index_cast %get3A_410 : i32 to index
    %get3A_412 = arith.constant 32 : index
    %get3A_413 = tpu.vector_load %arg5[%get3A_411, %get3A_412] {strides = array<i32>} : memref<104x128xi32, #tpu.memory_space<vmem>>, vector<1x16xi32>,
    %get3A_414 = vector.shape_cast %get3A_413 : vector<1x16xi32> to vector<16xi32>
    %shift_right_logical3A_415 = arith.constant 2 : i32
    %shift_right_logical3A_416 = vector.broadcast %shift_right_logical3A_415 : i32 to vector<16xi32>
    %shift_right_logical3A_417 = arith.shrui %get3A_414, %shift_right_logical3A_416 : vector<16xi32>
    %swap3A_418 = arith.constant 3 : i32
    %swap3A_419 = arith.index_cast %swap3A_418 : i32 to index
    %swap3A_420 = arith.constant 32 : index
    %swap3A_421 = tpu.vector_load %arg6[%swap3A_419, %swap3A_420] {strides = array<i32>} : memref<4x128xi32, #tpu.memory_space<vmem>>, vector<1x16xi32>,
    %swap3A_422 = vector.shape_cast %swap3A_421 : vector<1x16xi32> to vector<16xi32>
    %swap3A_423 = vector.shape_cast %shift_right_logical3A_417 : vector<16xi32> to vector<1x16xi32>
    tpu.vector_store %arg6[%swap3A_419, %swap3A_420], %swap3A_423 {strides = array<i32>} : memref<4x128xi32, #tpu.memory_space<vmem>>, vector<1x16xi32>,
    %get3A_424 = arith.constant 3 : i32
    %get3A_425 = arith.index_cast %get3A_424 : i32 to index
    %get3A_426 = arith.constant 48 : index
    %get3A_427 = tpu.vector_load %arg5[%get3A_425, %get3A_426] {strides = array<i32>} : memref<104x128xi32, #tpu.memory_space<vmem>>, vector<1x16xi32>,
    %get3A_428 = vector.shape_cast %get3A_427 : vector<1x16xi32> to vector<16xi32>
    %shift_right_logical3A_429 = arith.constant 2 : i32
    %shift_right_logical3A_430 = vector.broadcast %shift_right_logical3A_429 : i32 to vector<16xi32>
    %shift_right_logical3A_431 = arith.shrui %get3A_428, %shift_right_logical3A_430 : vector<16xi32>
    %swap3A_432 = arith.constant 3 : i32
    %swap3A_433 = arith.index_cast %swap3A_432 : i32 to index
    %swap3A_434 = arith.constant 48 : index
    %swap3A_435 = tpu.vector_load %arg6[%swap3A_433, %swap3A_434] {strides = array<i32>} : memref<4x128xi32, #tpu.memory_space<vmem>>, vector<1x16xi32>,
    %swap3A_436 = vector.shape_cast %swap3A_435 : vector<1x16xi32> to vector<16xi32>
    %swap3A_437 = vector.shape_cast %shift_right_logical3A_431 : vector<16xi32> to vector<1x16xi32>
    tpu.vector_store %arg6[%swap3A_433, %swap3A_434], %swap3A_437 {strides = array<i32>} : memref<4x128xi32, #tpu.memory_space<vmem>>, vector<1x16xi32>,
    %get3A_438 = arith.constant 3 : i32
    %get3A_439 = arith.index_cast %get3A_438 : i32 to index
    %get3A_440 = arith.constant 64 : index
    %get3A_441 = tpu.vector_load %arg5[%get3A_439, %get3A_440] {strides = array<i32>} : memref<104x128xi32, #tpu.memory_space<vmem>>, vector<1x16xi32>,
    %get3A_442 = vector.shape_cast %get3A_441 : vector<1x16xi32> to vector<16xi32>
    %shift_right_logical3A_443 = arith.constant 2 : i32
    %shift_right_logical3A_444 = vector.broadcast %shift_right_logical3A_443 : i32 to vector<16xi32>
    %shift_right_logical3A_445 = arith.shrui %get3A_442, %shift_right_logical3A_444 : vector<16xi32>
    %swap3A_446 = arith.constant 3 : i32
    %swap3A_447 = arith.index_cast %swap3A_446 : i32 to index
    %swap3A_448 = arith.constant 64 : index
    %swap3A_449 = tpu.vector_load %arg6[%swap3A_447, %swap3A_448] {strides = array<i32>} : memref<4x128xi32, #tpu.memory_space<vmem>>, vector<1x16xi32>,
    %swap3A_450 = vector.shape_cast %swap3A_449 : vector<1x16xi32> to vector<16xi32>
    %swap3A_451 = vector.shape_cast %shift_right_logical3A_445 : vector<16xi32> to vector<1x16xi32>
    tpu.vector_store %arg6[%swap3A_447, %swap3A_448], %swap3A_451 {strides = array<i32>} : memref<4x128xi32, #tpu.memory_space<vmem>>, vector<1x16xi32>,
    %get3A_452 = arith.constant 3 : i32
    %get3A_453 = arith.index_cast %get3A_452 : i32 to index
    %get3A_454 = arith.constant 80 : index
    %get3A_455 = tpu.vector_load %arg5[%get3A_453, %get3A_454] {strides = array<i32>} : memref<104x128xi32, #tpu.memory_space<vmem>>, vector<1x16xi32>,
    %get3A_456 = vector.shape_cast %get3A_455 : vector<1x16xi32> to vector<16xi32>
    %shift_right_logical3A_457 = arith.constant 2 : i32
    %shift_right_logical3A_458 = vector.broadcast %shift_right_logical3A_457 : i32 to vector<16xi32>
    %shift_right_logical3A_459 = arith.shrui %get3A_456, %shift_right_logical3A_458 : vector<16xi32>
    %swap3A_460 = arith.constant 3 : i32
    %swap3A_461 = arith.index_cast %swap3A_460 : i32 to index
    %swap3A_462 = arith.constant 80 : index
    %swap3A_463 = tpu.vector_load %arg6[%swap3A_461, %swap3A_462] {strides = array<i32>} : memref<4x128xi32, #tpu.memory_space<vmem>>, vector<1x16xi32>,
    %swap3A_464 = vector.shape_cast %swap3A_463 : vector<1x16xi32> to vector<16xi32>
    %swap3A_465 = vector.shape_cast %shift_right_logical3A_459 : vector<16xi32> to vector<1x16xi32>
    tpu.vector_store %arg6[%swap3A_461, %swap3A_462], %swap3A_465 {strides = array<i32>} : memref<4x128xi32, #tpu.memory_space<vmem>>, vector<1x16xi32>,
    %get3A_466 = arith.constant 3 : i32
    %get3A_467 = arith.index_cast %get3A_466 : i32 to index
    %get3A_468 = arith.constant 96 : index
    %get3A_469 = tpu.vector_load %arg5[%get3A_467, %get3A_468] {strides = array<i32>} : memref<104x128xi32, #tpu.memory_space<vmem>>, vector<1x16xi32>,
    %get3A_470 = vector.shape_cast %get3A_469 : vector<1x16xi32> to vector<16xi32>
    %shift_right_logical3A_471 = arith.constant 2 : i32
    %shift_right_logical3A_472 = vector.broadcast %shift_right_logical3A_471 : i32 to vector<16xi32>
    %shift_right_logical3A_473 = arith.shrui %get3A_470, %shift_right_logical3A_472 : vector<16xi32>
    %swap3A_474 = arith.constant 3 : i32
    %swap3A_475 = arith.index_cast %swap3A_474 : i32 to index
    %swap3A_476 = arith.constant 96 : index
    %swap3A_477 = tpu.vector_load %arg6[%swap3A_475, %swap3A_476] {strides = array<i32>} : memref<4x128xi32, #tpu.memory_space<vmem>>, vector<1x16xi32>,
    %swap3A_478 = vector.shape_cast %swap3A_477 : vector<1x16xi32> to vector<16xi32>
    %swap3A_479 = vector.shape_cast %shift_right_logical3A_473 : vector<16xi32> to vector<1x16xi32>
    tpu.vector_store %arg6[%swap3A_475, %swap3A_476], %swap3A_479 {strides = array<i32>} : memref<4x128xi32, #tpu.memory_space<vmem>>, vector<1x16xi32>,
    %get3A_480 = arith.constant 3 : i32
    %get3A_481 = arith.index_cast %get3A_480 : i32 to index
    %get3A_482 = arith.constant 112 : index
    %get3A_483 = tpu.vector_load %arg5[%get3A_481, %get3A_482] {strides = array<i32>} : memref<104x128xi32, #tpu.memory_space<vmem>>, vector<1x16xi32>,
    %get3A_484 = vector.shape_cast %get3A_483 : vector<1x16xi32> to vector<16xi32>
    %shift_right_logical3A_485 = arith.constant 2 : i32
    %shift_right_logical3A_486 = vector.broadcast %shift_right_logical3A_485 : i32 to vector<16xi32>
    %shift_right_logical3A_487 = arith.shrui %get3A_484, %shift_right_logical3A_486 : vector<16xi32>
    %swap3A_488 = arith.constant 3 : i32
    %swap3A_489 = arith.index_cast %swap3A_488 : i32 to index
    %swap3A_490 = arith.constant 112 : index
    %swap3A_491 = tpu.vector_load %arg6[%swap3A_489, %swap3A_490] {strides = array<i32>} : memref<4x128xi32, #tpu.memory_space<vmem>>, vector<1x16xi32>,
    %swap3A_492 = vector.shape_cast %swap3A_491 : vector<1x16xi32> to vector<16xi32>
    %swap3A_493 = vector.shape_cast %shift_right_logical3A_487 : vector<16xi32> to vector<1x16xi32>
    tpu.vector_store %arg6[%swap3A_489, %swap3A_490], %swap3A_493 {strides = array<i32>} : memref<4x128xi32, #tpu.memory_space<vmem>>, vector<1x16xi32>,
    %dma_start3A_494 = arith.constant 3 : i32
    %dma_start3A_495 = arith.constant 3 : i32
    %dma_start3A_496 = arith.constant 3 : i32
    %dma_start3A_497 = arith.constant 0 : i32
    %dma_start3A_498 = arith.constant 0 : i32
    %dma_start3A_499 = tpu.memref_slice %arg7[%dma_start3A_495, %dma_start3A_497, %dma_start3A_498] : memref<4x128x128xf32, #tpu.memory_space<vmem>> -> memref<1x128x128xf32, #tpu.memory_space<vmem>>
    %dma_start3A_500 = tpu.memref_squeeze %dma_start3A_499 : memref<1x128x128xf32, #tpu.memory_space<vmem>> -> memref<128x128xf32, #tpu.memory_space<vmem>>
    %dma_start3A_501 = arith.constant 0 : i32
    %dma_start3A_502 = tpu.memref_slice %arg6[%dma_start3A_494, %dma_start3A_501] : memref<4x128xi32, #tpu.memory_space<vmem>> -> memref<1x128xi32, #tpu.memory_space<vmem>>
    %dma_start3A_503 = tpu.memref_squeeze %dma_start3A_502 : memref<1x128xi32, #tpu.memory_space<vmem>> -> memref<128xi32, #tpu.memory_space<vmem>>
    %dma_start3A_504 = arith.constant 0 : i32
    %dma_start3A_505 = arith.constant 0 : i32
    %dma_start3A_506 = tpu.memref_slice %arg3[%dma_start3A_504, %dma_start3A_505] : memref<250000x128xf32, #tpu.memory_space<hbm>> -> memref<250000x128xf32, #tpu.memory_space<hbm>>
    %dma_start3A_507 = tpu.memref_slice %arg8[%dma_start3A_496] : memref<4x!tpu.dma_semaphore, #tpu.memory_space<semaphore_mem>> -> memref<1x!tpu.dma_semaphore, #tpu.memory_space<semaphore_mem>>
    %dma_start3A_508 = tpu.memref_squeeze %dma_start3A_507 : memref<1x!tpu.dma_semaphore, #tpu.memory_space<semaphore_mem>> -> memref<!tpu.dma_semaphore, #tpu.memory_space<semaphore_mem>>
    tpu.enqueue_indirect_dma source(%dma_start3A_506 : memref<250000x128xf32, #tpu.memory_space<hbm>>) target(%dma_start3A_500 : memref<128x128xf32, #tpu.memory_space<vmem>>) offsets(%dma_start3A_503 : memref<128xi32, #tpu.memory_space<vmem>>) semaphore(%dma_start3A_508 : memref<!tpu.dma_semaphore, #tpu.memory_space<semaphore_mem>>)
    %scan3A = arith.constant 0 : i32
    %scan3A_509 = arith.constant 26 : i32
    %scan3A_510 = arith.addi %scan3A, %scan3A_509 : i32
    %scan3A_511 = arith.constant 1 : i32
    scf.for %scan3A_584 = %scan3A to %scan3A_510 step %scan3A_511  : i32 {
      %mul3A_585 = arith.constant 4 : i32
      %mul3A_586 = arith.muli %scan3A_584, %mul3A_585 : i32
      %add3A_587 = arith.constant 0 : i32
      %add3A_588 = arith.addi %mul3A_586, %add3A_587 : i32
      %dma_wait3A_589 = arith.constant 0 : i32
      %dma_wait3A_590 = arith.constant 0 : i32
      %dma_wait3A_591 = arith.constant 0 : i32
      %dma_wait3A_592 = arith.constant 0 : i32
      %dma_wait3A_593 = arith.constant 0 : i32
      %dma_wait3A_594 = tpu.memref_slice %arg7[%dma_wait3A_590, %dma_wait3A_592, %dma_wait3A_593] : memref<4x128x128xf32, #tpu.memory_space<vmem>> -> memref<1x128x128xf32, #tpu.memory_space<vmem>>
      %dma_wait3A_595 = tpu.memref_squeeze %dma_wait3A_594 : memref<1x128x128xf32, #tpu.memory_space<vmem>> -> memref<128x128xf32, #tpu.memory_space<vmem>>
      %dma_wait3A_596 = arith.constant 0 : i32
      %dma_wait3A_597 = tpu.memref_slice %arg6[%dma_wait3A_589, %dma_wait3A_596] : memref<4x128xi32, #tpu.memory_space<vmem>> -> memref<1x128xi32, #tpu.memory_space<vmem>>
      %dma_wait3A_598 = tpu.memref_squeeze %dma_wait3A_597 : memref<1x128xi32, #tpu.memory_space<vmem>> -> memref<128xi32, #tpu.memory_space<vmem>>
      %dma_wait3A_599 = arith.constant 0 : i32
      %dma_wait3A_600 = arith.constant 0 : i32
      %dma_wait3A_601 = tpu.memref_slice %arg3[%dma_wait3A_599, %dma_wait3A_600] : memref<250000x128xf32, #tpu.memory_space<hbm>> -> memref<250000x128xf32, #tpu.memory_space<hbm>>
      %dma_wait3A_602 = tpu.memref_slice %arg8[%dma_wait3A_591] : memref<4x!tpu.dma_semaphore, #tpu.memory_space<semaphore_mem>> -> memref<1x!tpu.dma_semaphore, #tpu.memory_space<semaphore_mem>>
      %dma_wait3A_603 = tpu.memref_squeeze %dma_wait3A_602 : memref<1x!tpu.dma_semaphore, #tpu.memory_space<semaphore_mem>> -> memref<!tpu.dma_semaphore, #tpu.memory_space<semaphore_mem>>
      tpu.wait_indirect_dma semaphore(%dma_wait3A_603 : memref<!tpu.dma_semaphore, #tpu.memory_space<semaphore_mem>>) src(%dma_wait3A_601 : memref<250000x128xf32, #tpu.memory_space<hbm>>) dst(%dma_wait3A_595 : memref<128x128xf32, #tpu.memory_space<vmem>>)
      %mul3A_604 = arith.constant 128 : i32
      %mul3A_605 = arith.muli %add3A_588, %mul3A_604 : i32
      %add3A_606 = arith.addi %mul3A_2, %mul3A_605 : i32
      %dma_start3A_607 = arith.constant 0 : i32
      %dma_start3A_608 = arith.constant 0 : i32
      %dma_start3A_609 = arith.constant 0 : i32
      %dma_start3A_610 = arith.constant 0 : i32
      %dma_start3A_611 = tpu.memref_slice %arg7[%dma_start3A_607, %dma_start3A_609, %dma_start3A_610] : memref<4x128x128xf32, #tpu.memory_space<vmem>> -> memref<1x128x128xf32, #tpu.memory_space<vmem>>
      %dma_start3A_612 = tpu.memref_squeeze %dma_start3A_611 : memref<1x128x128xf32, #tpu.memory_space<vmem>> -> memref<128x128xf32, #tpu.memory_space<vmem>>
      %dma_start3A_613 = arith.constant 0 : i32
      %dma_start3A_614 = tpu.memref_slice %arg4[%add3A_606, %dma_start3A_613] : memref<425984x128xf32, #tpu.memory_space<hbm>> -> memref<128x128xf32, #tpu.memory_space<hbm>>
      %dma_start3A_615 = tpu.memref_slice %arg9[%dma_start3A_608] : memref<4x!tpu.dma_semaphore, #tpu.memory_space<semaphore_mem>> -> memref<1x!tpu.dma_semaphore, #tpu.memory_space<semaphore_mem>>
      %dma_start3A_616 = tpu.memref_squeeze %dma_start3A_615 : memref<1x!tpu.dma_semaphore, #tpu.memory_space<semaphore_mem>> -> memref<!tpu.dma_semaphore, #tpu.memory_space<semaphore_mem>>
      %dma_start3A_617 = arith.constant 0 : i32
      %dma_start3A_618 = tpu.memref_slice %arg4[%add3A_606, %dma_start3A_617] : memref<425984x128xf32, #tpu.memory_space<hbm>> -> memref<128x128xf32, #tpu.memory_space<hbm>>
      %dma_start3A_619 = arith.constant 0 : i32
      %dma_start3A_620 = arith.constant 0 : i32
      %dma_start3A_621 = tpu.memref_slice %arg7[%dma_start3A_607, %dma_start3A_619, %dma_start3A_620] : memref<4x128x128xf32, #tpu.memory_space<vmem>> -> memref<1x128x128xf32, #tpu.memory_space<vmem>>
      %dma_start3A_622 = tpu.memref_squeeze %dma_start3A_621 : memref<1x128x128xf32, #tpu.memory_space<vmem>> -> memref<128x128xf32, #tpu.memory_space<vmem>>
      tpu.enqueue_dma source(%dma_start3A_622 : memref<128x128xf32, #tpu.memory_space<vmem>>) target(%dma_start3A_618 : memref<128x128xf32, #tpu.memory_space<hbm>>) target_semaphore(%dma_start3A_616 : memref<!tpu.dma_semaphore, #tpu.memory_space<semaphore_mem>>)
      %mul3A_623 = arith.constant 4 : i32
      %mul3A_624 = arith.muli %scan3A_584, %mul3A_623 : i32
      %add3A_625 = arith.constant 1 : i32
      %add3A_626 = arith.addi %mul3A_624, %add3A_625 : i32
      %dma_wait3A_627 = arith.constant 1 : i32
      %dma_wait3A_628 = arith.constant 1 : i32
      %dma_wait3A_629 = arith.constant 1 : i32
      %dma_wait3A_630 = arith.constant 0 : i32
      %dma_wait3A_631 = arith.constant 0 : i32
      %dma_wait3A_632 = tpu.memref_slice %arg7[%dma_wait3A_628, %dma_wait3A_630, %dma_wait3A_631] : memref<4x128x128xf32, #tpu.memory_space<vmem>> -> memref<1x128x128xf32, #tpu.memory_space<vmem>>
      %dma_wait3A_633 = tpu.memref_squeeze %dma_wait3A_632 : memref<1x128x128xf32, #tpu.memory_space<vmem>> -> memref<128x128xf32, #tpu.memory_space<vmem>>
      %dma_wait3A_634 = arith.constant 0 : i32
      %dma_wait3A_635 = tpu.memref_slice %arg6[%dma_wait3A_627, %dma_wait3A_634] : memref<4x128xi32, #tpu.memory_space<vmem>> -> memref<1x128xi32, #tpu.memory_space<vmem>>
      %dma_wait3A_636 = tpu.memref_squeeze %dma_wait3A_635 : memref<1x128xi32, #tpu.memory_space<vmem>> -> memref<128xi32, #tpu.memory_space<vmem>>
      %dma_wait3A_637 = arith.constant 0 : i32
      %dma_wait3A_638 = arith.constant 0 : i32
      %dma_wait3A_639 = tpu.memref_slice %arg3[%dma_wait3A_637, %dma_wait3A_638] : memref<250000x128xf32, #tpu.memory_space<hbm>> -> memref<250000x128xf32, #tpu.memory_space<hbm>>
      %dma_wait3A_640 = tpu.memref_slice %arg8[%dma_wait3A_629] : memref<4x!tpu.dma_semaphore, #tpu.memory_space<semaphore_mem>> -> memref<1x!tpu.dma_semaphore, #tpu.memory_space<semaphore_mem>>
      %dma_wait3A_641 = tpu.memref_squeeze %dma_wait3A_640 : memref<1x!tpu.dma_semaphore, #tpu.memory_space<semaphore_mem>> -> memref<!tpu.dma_semaphore, #tpu.memory_space<semaphore_mem>>
      tpu.wait_indirect_dma semaphore(%dma_wait3A_641 : memref<!tpu.dma_semaphore, #tpu.memory_space<semaphore_mem>>) src(%dma_wait3A_639 : memref<250000x128xf32, #tpu.memory_space<hbm>>) dst(%dma_wait3A_633 : memref<128x128xf32, #tpu.memory_space<vmem>>)
      %mul3A_642 = arith.constant 128 : i32
      %mul3A_643 = arith.muli %add3A_626, %mul3A_642 : i32
      %add3A_644 = arith.addi %mul3A_2, %mul3A_643 : i32
      %dma_start3A_645 = arith.constant 1 : i32
      %dma_start3A_646 = arith.constant 1 : i32
      %dma_start3A_647 = arith.constant 0 : i32
      %dma_start3A_648 = arith.constant 0 : i32
      %dma_start3A_649 = tpu.memref_slice %arg7[%dma_start3A_645, %dma_start3A_647, %dma_start3A_648] : memref<4x128x128xf32, #tpu.memory_space<vmem>> -> memref<1x128x128xf32, #tpu.memory_space<vmem>>
      %dma_start3A_650 = tpu.memref_squeeze %dma_start3A_649 : memref<1x128x128xf32, #tpu.memory_space<vmem>> -> memref<128x128xf32, #tpu.memory_space<vmem>>
      %dma_start3A_651 = arith.constant 0 : i32
      %dma_start3A_652 = tpu.memref_slice %arg4[%add3A_644, %dma_start3A_651] : memref<425984x128xf32, #tpu.memory_space<hbm>> -> memref<128x128xf32, #tpu.memory_space<hbm>>
      %dma_start3A_653 = tpu.memref_slice %arg9[%dma_start3A_646] : memref<4x!tpu.dma_semaphore, #tpu.memory_space<semaphore_mem>> -> memref<1x!tpu.dma_semaphore, #tpu.memory_space<semaphore_mem>>
      %dma_start3A_654 = tpu.memref_squeeze %dma_start3A_653 : memref<1x!tpu.dma_semaphore, #tpu.memory_space<semaphore_mem>> -> memref<!tpu.dma_semaphore, #tpu.memory_space<semaphore_mem>>
      %dma_start3A_655 = arith.constant 0 : i32
      %dma_start3A_656 = tpu.memref_slice %arg4[%add3A_644, %dma_start3A_655] : memref<425984x128xf32, #tpu.memory_space<hbm>> -> memref<128x128xf32, #tpu.memory_space<hbm>>
      %dma_start3A_657 = arith.constant 0 : i32
      %dma_start3A_658 = arith.constant 0 : i32
      %dma_start3A_659 = tpu.memref_slice %arg7[%dma_start3A_645, %dma_start3A_657, %dma_start3A_658] : memref<4x128x128xf32, #tpu.memory_space<vmem>> -> memref<1x128x128xf32, #tpu.memory_space<vmem>>
      %dma_start3A_660 = tpu.memref_squeeze %dma_start3A_659 : memref<1x128x128xf32, #tpu.memory_space<vmem>> -> memref<128x128xf32, #tpu.memory_space<vmem>>
      tpu.enqueue_dma source(%dma_start3A_660 : memref<128x128xf32, #tpu.memory_space<vmem>>) target(%dma_start3A_656 : memref<128x128xf32, #tpu.memory_space<hbm>>) target_semaphore(%dma_start3A_654 : memref<!tpu.dma_semaphore, #tpu.memory_space<semaphore_mem>>)
      %mul3A_661 = arith.constant 4 : i32
      %mul3A_662 = arith.muli %scan3A_584, %mul3A_661 : i32
      %add3A_663 = arith.constant 2 : i32
      %add3A_664 = arith.addi %mul3A_662, %add3A_663 : i32
      %dma_wait3A_665 = arith.constant 2 : i32
      %dma_wait3A_666 = arith.constant 2 : i32
      %dma_wait3A_667 = arith.constant 2 : i32
      %dma_wait3A_668 = arith.constant 0 : i32
      %dma_wait3A_669 = arith.constant 0 : i32
      %dma_wait3A_670 = tpu.memref_slice %arg7[%dma_wait3A_666, %dma_wait3A_668, %dma_wait3A_669] : memref<4x128x128xf32, #tpu.memory_space<vmem>> -> memref<1x128x128xf32, #tpu.memory_space<vmem>>
      %dma_wait3A_671 = tpu.memref_squeeze %dma_wait3A_670 : memref<1x128x128xf32, #tpu.memory_space<vmem>> -> memref<128x128xf32, #tpu.memory_space<vmem>>
      %dma_wait3A_672 = arith.constant 0 : i32
      %dma_wait3A_673 = tpu.memref_slice %arg6[%dma_wait3A_665, %dma_wait3A_672] : memref<4x128xi32, #tpu.memory_space<vmem>> -> memref<1x128xi32, #tpu.memory_space<vmem>>
      %dma_wait3A_674 = tpu.memref_squeeze %dma_wait3A_673 : memref<1x128xi32, #tpu.memory_space<vmem>> -> memref<128xi32, #tpu.memory_space<vmem>>
      %dma_wait3A_675 = arith.constant 0 : i32
      %dma_wait3A_676 = arith.constant 0 : i32
      %dma_wait3A_677 = tpu.memref_slice %arg3[%dma_wait3A_675, %dma_wait3A_676] : memref<250000x128xf32, #tpu.memory_space<hbm>> -> memref<250000x128xf32, #tpu.memory_space<hbm>>
      %dma_wait3A_678 = tpu.memref_slice %arg8[%dma_wait3A_667] : memref<4x!tpu.dma_semaphore, #tpu.memory_space<semaphore_mem>> -> memref<1x!tpu.dma_semaphore, #tpu.memory_space<semaphore_mem>>
      %dma_wait3A_679 = tpu.memref_squeeze %dma_wait3A_678 : memref<1x!tpu.dma_semaphore, #tpu.memory_space<semaphore_mem>> -> memref<!tpu.dma_semaphore, #tpu.memory_space<semaphore_mem>>
      tpu.wait_indirect_dma semaphore(%dma_wait3A_679 : memref<!tpu.dma_semaphore, #tpu.memory_space<semaphore_mem>>) src(%dma_wait3A_677 : memref<250000x128xf32, #tpu.memory_space<hbm>>) dst(%dma_wait3A_671 : memref<128x128xf32, #tpu.memory_space<vmem>>)
      %mul3A_680 = arith.constant 128 : i32
      %mul3A_681 = arith.muli %add3A_664, %mul3A_680 : i32
      %add3A_682 = arith.addi %mul3A_2, %mul3A_681 : i32
      %dma_start3A_683 = arith.constant 2 : i32
      %dma_start3A_684 = arith.constant 2 : i32
      %dma_start3A_685 = arith.constant 0 : i32
      %dma_start3A_686 = arith.constant 0 : i32
      %dma_start3A_687 = tpu.memref_slice %arg7[%dma_start3A_683, %dma_start3A_685, %dma_start3A_686] : memref<4x128x128xf32, #tpu.memory_space<vmem>> -> memref<1x128x128xf32, #tpu.memory_space<vmem>>
      %dma_start3A_688 = tpu.memref_squeeze %dma_start3A_687 : memref<1x128x128xf32, #tpu.memory_space<vmem>> -> memref<128x128xf32, #tpu.memory_space<vmem>>
      %dma_start3A_689 = arith.constant 0 : i32
      %dma_start3A_690 = tpu.memref_slice %arg4[%add3A_682, %dma_start3A_689] : memref<425984x128xf32, #tpu.memory_space<hbm>> -> memref<128x128xf32, #tpu.memory_space<hbm>>
      %dma_start3A_691 = tpu.memref_slice %arg9[%dma_start3A_684] : memref<4x!tpu.dma_semaphore, #tpu.memory_space<semaphore_mem>> -> memref<1x!tpu.dma_semaphore, #tpu.memory_space<semaphore_mem>>
      %dma_start3A_692 = tpu.memref_squeeze %dma_start3A_691 : memref<1x!tpu.dma_semaphore, #tpu.memory_space<semaphore_mem>> -> memref<!tpu.dma_semaphore, #tpu.memory_space<semaphore_mem>>
      %dma_start3A_693 = arith.constant 0 : i32
      %dma_start3A_694 = tpu.memref_slice %arg4[%add3A_682, %dma_start3A_693] : memref<425984x128xf32, #tpu.memory_space<hbm>> -> memref<128x128xf32, #tpu.memory_space<hbm>>
      %dma_start3A_695 = arith.constant 0 : i32
      %dma_start3A_696 = arith.constant 0 : i32
      %dma_start3A_697 = tpu.memref_slice %arg7[%dma_start3A_683, %dma_start3A_695, %dma_start3A_696] : memref<4x128x128xf32, #tpu.memory_space<vmem>> -> memref<1x128x128xf32, #tpu.memory_space<vmem>>
      %dma_start3A_698 = tpu.memref_squeeze %dma_start3A_697 : memref<1x128x128xf32, #tpu.memory_space<vmem>> -> memref<128x128xf32, #tpu.memory_space<vmem>>
      tpu.enqueue_dma source(%dma_start3A_698 : memref<128x128xf32, #tpu.memory_space<vmem>>) target(%dma_start3A_694 : memref<128x128xf32, #tpu.memory_space<hbm>>) target_semaphore(%dma_start3A_692 : memref<!tpu.dma_semaphore, #tpu.memory_space<semaphore_mem>>)
      %mul3A_699 = arith.constant 4 : i32
      %mul3A_700 = arith.muli %scan3A_584, %mul3A_699 : i32
      %add3A_701 = arith.constant 3 : i32
      %add3A_702 = arith.addi %mul3A_700, %add3A_701 : i32
      %dma_wait3A_703 = arith.constant 3 : i32
      %dma_wait3A_704 = arith.constant 3 : i32
      %dma_wait3A_705 = arith.constant 3 : i32
      %dma_wait3A_706 = arith.constant 0 : i32
      %dma_wait3A_707 = arith.constant 0 : i32
      %dma_wait3A_708 = tpu.memref_slice %arg7[%dma_wait3A_704, %dma_wait3A_706, %dma_wait3A_707] : memref<4x128x128xf32, #tpu.memory_space<vmem>> -> memref<1x128x128xf32, #tpu.memory_space<vmem>>
      %dma_wait3A_709 = tpu.memref_squeeze %dma_wait3A_708 : memref<1x128x128xf32, #tpu.memory_space<vmem>> -> memref<128x128xf32, #tpu.memory_space<vmem>>
      %dma_wait3A_710 = arith.constant 0 : i32
      %dma_wait3A_711 = tpu.memref_slice %arg6[%dma_wait3A_703, %dma_wait3A_710] : memref<4x128xi32, #tpu.memory_space<vmem>> -> memref<1x128xi32, #tpu.memory_space<vmem>>
      %dma_wait3A_712 = tpu.memref_squeeze %dma_wait3A_711 : memref<1x128xi32, #tpu.memory_space<vmem>> -> memref<128xi32, #tpu.memory_space<vmem>>
      %dma_wait3A_713 = arith.constant 0 : i32
      %dma_wait3A_714 = arith.constant 0 : i32
      %dma_wait3A_715 = tpu.memref_slice %arg3[%dma_wait3A_713, %dma_wait3A_714] : memref<250000x128xf32, #tpu.memory_space<hbm>> -> memref<250000x128xf32, #tpu.memory_space<hbm>>
      %dma_wait3A_716 = tpu.memref_slice %arg8[%dma_wait3A_705] : memref<4x!tpu.dma_semaphore, #tpu.memory_space<semaphore_mem>> -> memref<1x!tpu.dma_semaphore, #tpu.memory_space<semaphore_mem>>
      %dma_wait3A_717 = tpu.memref_squeeze %dma_wait3A_716 : memref<1x!tpu.dma_semaphore, #tpu.memory_space<semaphore_mem>> -> memref<!tpu.dma_semaphore, #tpu.memory_space<semaphore_mem>>
      tpu.wait_indirect_dma semaphore(%dma_wait3A_717 : memref<!tpu.dma_semaphore, #tpu.memory_space<semaphore_mem>>) src(%dma_wait3A_715 : memref<250000x128xf32, #tpu.memory_space<hbm>>) dst(%dma_wait3A_709 : memref<128x128xf32, #tpu.memory_space<vmem>>)
      %mul3A_718 = arith.constant 128 : i32
      %mul3A_719 = arith.muli %add3A_702, %mul3A_718 : i32
      %add3A_720 = arith.addi %mul3A_2, %mul3A_719 : i32
      %dma_start3A_721 = arith.constant 3 : i32
      %dma_start3A_722 = arith.constant 3 : i32
      %dma_start3A_723 = arith.constant 0 : i32
      %dma_start3A_724 = arith.constant 0 : i32
      %dma_start3A_725 = tpu.memref_slice %arg7[%dma_start3A_721, %dma_start3A_723, %dma_start3A_724] : memref<4x128x128xf32, #tpu.memory_space<vmem>> -> memref<1x128x128xf32, #tpu.memory_space<vmem>>
      %dma_start3A_726 = tpu.memref_squeeze %dma_start3A_725 : memref<1x128x128xf32, #tpu.memory_space<vmem>> -> memref<128x128xf32, #tpu.memory_space<vmem>>
      %dma_start3A_727 = arith.constant 0 : i32
      %dma_start3A_728 = tpu.memref_slice %arg4[%add3A_720, %dma_start3A_727] : memref<425984x128xf32, #tpu.memory_space<hbm>> -> memref<128x128xf32, #tpu.memory_space<hbm>>
      %dma_start3A_729 = tpu.memref_slice %arg9[%dma_start3A_722] : memref<4x!tpu.dma_semaphore, #tpu.memory_space<semaphore_mem>> -> memref<1x!tpu.dma_semaphore, #tpu.memory_space<semaphore_mem>>
      %dma_start3A_730 = tpu.memref_squeeze %dma_start3A_729 : memref<1x!tpu.dma_semaphore, #tpu.memory_space<semaphore_mem>> -> memref<!tpu.dma_semaphore, #tpu.memory_space<semaphore_mem>>
      %dma_start3A_731 = arith.constant 0 : i32
      %dma_start3A_732 = tpu.memref_slice %arg4[%add3A_720, %dma_start3A_731] : memref<425984x128xf32, #tpu.memory_space<hbm>> -> memref<128x128xf32, #tpu.memory_space<hbm>>
      %dma_start3A_733 = arith.constant 0 : i32
      %dma_start3A_734 = arith.constant 0 : i32
      %dma_start3A_735 = tpu.memref_slice %arg7[%dma_start3A_721, %dma_start3A_733, %dma_start3A_734] : memref<4x128x128xf32, #tpu.memory_space<vmem>> -> memref<1x128x128xf32, #tpu.memory_space<vmem>>
      %dma_start3A_736 = tpu.memref_squeeze %dma_start3A_735 : memref<1x128x128xf32, #tpu.memory_space<vmem>> -> memref<128x128xf32, #tpu.memory_space<vmem>>
      tpu.enqueue_dma source(%dma_start3A_736 : memref<128x128xf32, #tpu.memory_space<vmem>>) target(%dma_start3A_732 : memref<128x128xf32, #tpu.memory_space<hbm>>) target_semaphore(%dma_start3A_730 : memref<!tpu.dma_semaphore, #tpu.memory_space<semaphore_mem>>)
      %mul3A_737 = arith.constant 4 : i32
      %mul3A_738 = arith.muli %scan3A_584, %mul3A_737 : i32
      %add3A_739 = arith.constant 0 : i32
      %add3A_740 = arith.addi %mul3A_738, %add3A_739 : i32
      %add3A_741 = arith.constant 4 : i32
      %add3A_742 = arith.addi %add3A_740, %add3A_741 : i32
      %lt3A = arith.constant 104 : i32
      %lt3A_743 = arith.cmpi slt, %add3A_742, %lt3A : i32
      %convert_element_type3A = arith.extui %lt3A_743 : i1 to i32
      %cond3A = arith.constant 0 : i32
      %cond3A_744 = arith.cmpi ne, %convert_element_type3A, %cond3A : i32
      scf.if %cond3A_744 {
        %mul3A_778 = arith.constant 128 : i32
        %mul3A_779 = arith.muli %add3A_740, %mul3A_778 : i32
        %add3A_780 = arith.addi %mul3A_2, %mul3A_779 : i32
        %dma_wait3A_781 = arith.constant 0 : i32
        %dma_wait3A_782 = arith.constant 0 : i32
        %dma_wait3A_783 = arith.constant 0 : i32
        %dma_wait3A_784 = arith.constant 0 : i32
        %dma_wait3A_785 = tpu.memref_slice %arg7[%dma_wait3A_781, %dma_wait3A_783, %dma_wait3A_784] : memref<4x128x128xf32, #tpu.memory_space<vmem>> -> memref<1x128x128xf32, #tpu.memory_space<vmem>>
        %dma_wait3A_786 = tpu.memref_squeeze %dma_wait3A_785 : memref<1x128x128xf32, #tpu.memory_space<vmem>> -> memref<128x128xf32, #tpu.memory_space<vmem>>
        %dma_wait3A_787 = arith.constant 0 : i32
        %dma_wait3A_788 = tpu.memref_slice %arg4[%add3A_780, %dma_wait3A_787] : memref<425984x128xf32, #tpu.memory_space<hbm>> -> memref<128x128xf32, #tpu.memory_space<hbm>>
        %dma_wait3A_789 = tpu.memref_slice %arg9[%dma_wait3A_782] : memref<4x!tpu.dma_semaphore, #tpu.memory_space<semaphore_mem>> -> memref<1x!tpu.dma_semaphore, #tpu.memory_space<semaphore_mem>>
        %dma_wait3A_790 = tpu.memref_squeeze %dma_wait3A_789 : memref<1x!tpu.dma_semaphore, #tpu.memory_space<semaphore_mem>> -> memref<!tpu.dma_semaphore, #tpu.memory_space<semaphore_mem>>
        %dma_wait3A_791 = arith.constant 0 : i32
        %dma_wait3A_792 = tpu.memref_slice %arg4[%add3A_780, %dma_wait3A_791] : memref<425984x128xf32, #tpu.memory_space<hbm>> -> memref<128x128xf32, #tpu.memory_space<hbm>>
        %dma_wait3A_793 = arith.constant 0 : i32
        %dma_wait3A_794 = arith.constant 0 : i32
        %dma_wait3A_795 = tpu.memref_slice %arg7[%dma_wait3A_781, %dma_wait3A_793, %dma_wait3A_794] : memref<4x128x128xf32, #tpu.memory_space<vmem>> -> memref<1x128x128xf32, #tpu.memory_space<vmem>>
        %dma_wait3A_796 = tpu.memref_squeeze %dma_wait3A_795 : memref<1x128x128xf32, #tpu.memory_space<vmem>> -> memref<128x128xf32, #tpu.memory_space<vmem>>
        tpu.wait_dma2 semaphore(%dma_wait3A_790 : memref<!tpu.dma_semaphore, #tpu.memory_space<semaphore_mem>>) src(%dma_wait3A_796 : memref<128x128xf32, #tpu.memory_space<vmem>>) dst(%dma_wait3A_792 : memref<128x128xf32, #tpu.memory_space<hbm>>)
        %get3A_797 = arith.index_cast %add3A_742 : i32 to index
        %get3A_798 = arith.constant 0 : index
        %get3A_799 = tpu.vector_load %arg5[%get3A_797, %get3A_798] {strides = array<i32>} : memref<104x128xi32, #tpu.memory_space<vmem>>, vector<1x16xi32>,
        %get3A_800 = vector.shape_cast %get3A_799 : vector<1x16xi32> to vector<16xi32>
        %shift_right_logical3A_801 = arith.constant 2 : i32
        %shift_right_logical3A_802 = vector.broadcast %shift_right_logical3A_801 : i32 to vector<16xi32>
        %shift_right_logical3A_803 = arith.shrui %get3A_800, %shift_right_logical3A_802 : vector<16xi32>
        %swap3A_804 = arith.constant 0 : i32
        %swap3A_805 = arith.index_cast %swap3A_804 : i32 to index
        %swap3A_806 = arith.constant 0 : index
        %swap3A_807 = tpu.vector_load %arg6[%swap3A_805, %swap3A_806] {strides = array<i32>} : memref<4x128xi32, #tpu.memory_space<vmem>>, vector<1x16xi32>,
        %swap3A_808 = vector.shape_cast %swap3A_807 : vector<1x16xi32> to vector<16xi32>
        %swap3A_809 = vector.shape_cast %shift_right_logical3A_803 : vector<16xi32> to vector<1x16xi32>
        tpu.vector_store %arg6[%swap3A_805, %swap3A_806], %swap3A_809 {strides = array<i32>} : memref<4x128xi32, #tpu.memory_space<vmem>>, vector<1x16xi32>,
        %get3A_810 = arith.index_cast %add3A_742 : i32 to index
        %get3A_811 = arith.constant 16 : index
        %get3A_812 = tpu.vector_load %arg5[%get3A_810, %get3A_811] {strides = array<i32>} : memref<104x128xi32, #tpu.memory_space<vmem>>, vector<1x16xi32>,
        %get3A_813 = vector.shape_cast %get3A_812 : vector<1x16xi32> to vector<16xi32>
        %shift_right_logical3A_814 = arith.constant 2 : i32
        %shift_right_logical3A_815 = vector.broadcast %shift_right_logical3A_814 : i32 to vector<16xi32>
        %shift_right_logical3A_816 = arith.shrui %get3A_813, %shift_right_logical3A_815 : vector<16xi32>
        %swap3A_817 = arith.constant 0 : i32
        %swap3A_818 = arith.index_cast %swap3A_817 : i32 to index
        %swap3A_819 = arith.constant 16 : index
        %swap3A_820 = tpu.vector_load %arg6[%swap3A_818, %swap3A_819] {strides = array<i32>} : memref<4x128xi32, #tpu.memory_space<vmem>>, vector<1x16xi32>,
        %swap3A_821 = vector.shape_cast %swap3A_820 : vector<1x16xi32> to vector<16xi32>
        %swap3A_822 = vector.shape_cast %shift_right_logical3A_816 : vector<16xi32> to vector<1x16xi32>
        tpu.vector_store %arg6[%swap3A_818, %swap3A_819], %swap3A_822 {strides = array<i32>} : memref<4x128xi32, #tpu.memory_space<vmem>>, vector<1x16xi32>,
        %get3A_823 = arith.index_cast %add3A_742 : i32 to index
        %get3A_824 = arith.constant 32 : index
        %get3A_825 = tpu.vector_load %arg5[%get3A_823, %get3A_824] {strides = array<i32>} : memref<104x128xi32, #tpu.memory_space<vmem>>, vector<1x16xi32>,
        %get3A_826 = vector.shape_cast %get3A_825 : vector<1x16xi32> to vector<16xi32>
        %shift_right_logical3A_827 = arith.constant 2 : i32
        %shift_right_logical3A_828 = vector.broadcast %shift_right_logical3A_827 : i32 to vector<16xi32>
        %shift_right_logical3A_829 = arith.shrui %get3A_826, %shift_right_logical3A_828 : vector<16xi32>
        %swap3A_830 = arith.constant 0 : i32
        %swap3A_831 = arith.index_cast %swap3A_830 : i32 to index
        %swap3A_832 = arith.constant 32 : index
        %swap3A_833 = tpu.vector_load %arg6[%swap3A_831, %swap3A_832] {strides = array<i32>} : memref<4x128xi32, #tpu.memory_space<vmem>>, vector<1x16xi32>,
        %swap3A_834 = vector.shape_cast %swap3A_833 : vector<1x16xi32> to vector<16xi32>
        %swap3A_835 = vector.shape_cast %shift_right_logical3A_829 : vector<16xi32> to vector<1x16xi32>
        tpu.vector_store %arg6[%swap3A_831, %swap3A_832], %swap3A_835 {strides = array<i32>} : memref<4x128xi32, #tpu.memory_space<vmem>>, vector<1x16xi32>,
        %get3A_836 = arith.index_cast %add3A_742 : i32 to index
        %get3A_837 = arith.constant 48 : index
        %get3A_838 = tpu.vector_load %arg5[%get3A_836, %get3A_837] {strides = array<i32>} : memref<104x128xi32, #tpu.memory_space<vmem>>, vector<1x16xi32>,
        %get3A_839 = vector.shape_cast %get3A_838 : vector<1x16xi32> to vector<16xi32>
        %shift_right_logical3A_840 = arith.constant 2 : i32
        %shift_right_logical3A_841 = vector.broadcast %shift_right_logical3A_840 : i32 to vector<16xi32>
        %shift_right_logical3A_842 = arith.shrui %get3A_839, %shift_right_logical3A_841 : vector<16xi32>
        %swap3A_843 = arith.constant 0 : i32
        %swap3A_844 = arith.index_cast %swap3A_843 : i32 to index
        %swap3A_845 = arith.constant 48 : index
        %swap3A_846 = tpu.vector_load %arg6[%swap3A_844, %swap3A_845] {strides = array<i32>} : memref<4x128xi32, #tpu.memory_space<vmem>>, vector<1x16xi32>,
        %swap3A_847 = vector.shape_cast %swap3A_846 : vector<1x16xi32> to vector<16xi32>
        %swap3A_848 = vector.shape_cast %shift_right_logical3A_842 : vector<16xi32> to vector<1x16xi32>
        tpu.vector_store %arg6[%swap3A_844, %swap3A_845], %swap3A_848 {strides = array<i32>} : memref<4x128xi32, #tpu.memory_space<vmem>>, vector<1x16xi32>,
        %get3A_849 = arith.index_cast %add3A_742 : i32 to index
        %get3A_850 = arith.constant 64 : index
        %get3A_851 = tpu.vector_load %arg5[%get3A_849, %get3A_850] {strides = array<i32>} : memref<104x128xi32, #tpu.memory_space<vmem>>, vector<1x16xi32>,
        %get3A_852 = vector.shape_cast %get3A_851 : vector<1x16xi32> to vector<16xi32>
        %shift_right_logical3A_853 = arith.constant 2 : i32
        %shift_right_logical3A_854 = vector.broadcast %shift_right_logical3A_853 : i32 to vector<16xi32>
        %shift_right_logical3A_855 = arith.shrui %get3A_852, %shift_right_logical3A_854 : vector<16xi32>
        %swap3A_856 = arith.constant 0 : i32
        %swap3A_857 = arith.index_cast %swap3A_856 : i32 to index
        %swap3A_858 = arith.constant 64 : index
        %swap3A_859 = tpu.vector_load %arg6[%swap3A_857, %swap3A_858] {strides = array<i32>} : memref<4x128xi32, #tpu.memory_space<vmem>>, vector<1x16xi32>,
        %swap3A_860 = vector.shape_cast %swap3A_859 : vector<1x16xi32> to vector<16xi32>
        %swap3A_861 = vector.shape_cast %shift_right_logical3A_855 : vector<16xi32> to vector<1x16xi32>
        tpu.vector_store %arg6[%swap3A_857, %swap3A_858], %swap3A_861 {strides = array<i32>} : memref<4x128xi32, #tpu.memory_space<vmem>>, vector<1x16xi32>,
        %get3A_862 = arith.index_cast %add3A_742 : i32 to index
        %get3A_863 = arith.constant 80 : index
        %get3A_864 = tpu.vector_load %arg5[%get3A_862, %get3A_863] {strides = array<i32>} : memref<104x128xi32, #tpu.memory_space<vmem>>, vector<1x16xi32>,
        %get3A_865 = vector.shape_cast %get3A_864 : vector<1x16xi32> to vector<16xi32>
        %shift_right_logical3A_866 = arith.constant 2 : i32
        %shift_right_logical3A_867 = vector.broadcast %shift_right_logical3A_866 : i32 to vector<16xi32>
        %shift_right_logical3A_868 = arith.shrui %get3A_865, %shift_right_logical3A_867 : vector<16xi32>
        %swap3A_869 = arith.constant 0 : i32
        %swap3A_870 = arith.index_cast %swap3A_869 : i32 to index
        %swap3A_871 = arith.constant 80 : index
        %swap3A_872 = tpu.vector_load %arg6[%swap3A_870, %swap3A_871] {strides = array<i32>} : memref<4x128xi32, #tpu.memory_space<vmem>>, vector<1x16xi32>,
        %swap3A_873 = vector.shape_cast %swap3A_872 : vector<1x16xi32> to vector<16xi32>
        %swap3A_874 = vector.shape_cast %shift_right_logical3A_868 : vector<16xi32> to vector<1x16xi32>
        tpu.vector_store %arg6[%swap3A_870, %swap3A_871], %swap3A_874 {strides = array<i32>} : memref<4x128xi32, #tpu.memory_space<vmem>>, vector<1x16xi32>,
        %get3A_875 = arith.index_cast %add3A_742 : i32 to index
        %get3A_876 = arith.constant 96 : index
        %get3A_877 = tpu.vector_load %arg5[%get3A_875, %get3A_876] {strides = array<i32>} : memref<104x128xi32, #tpu.memory_space<vmem>>, vector<1x16xi32>,
        %get3A_878 = vector.shape_cast %get3A_877 : vector<1x16xi32> to vector<16xi32>
        %shift_right_logical3A_879 = arith.constant 2 : i32
        %shift_right_logical3A_880 = vector.broadcast %shift_right_logical3A_879 : i32 to vector<16xi32>
        %shift_right_logical3A_881 = arith.shrui %get3A_878, %shift_right_logical3A_880 : vector<16xi32>
        %swap3A_882 = arith.constant 0 : i32
        %swap3A_883 = arith.index_cast %swap3A_882 : i32 to index
        %swap3A_884 = arith.constant 96 : index
        %swap3A_885 = tpu.vector_load %arg6[%swap3A_883, %swap3A_884] {strides = array<i32>} : memref<4x128xi32, #tpu.memory_space<vmem>>, vector<1x16xi32>,
        %swap3A_886 = vector.shape_cast %swap3A_885 : vector<1x16xi32> to vector<16xi32>
        %swap3A_887 = vector.shape_cast %shift_right_logical3A_881 : vector<16xi32> to vector<1x16xi32>
        tpu.vector_store %arg6[%swap3A_883, %swap3A_884], %swap3A_887 {strides = array<i32>} : memref<4x128xi32, #tpu.memory_space<vmem>>, vector<1x16xi32>,
        %get3A_888 = arith.index_cast %add3A_742 : i32 to index
        %get3A_889 = arith.constant 112 : index
        %get3A_890 = tpu.vector_load %arg5[%get3A_888, %get3A_889] {strides = array<i32>} : memref<104x128xi32, #tpu.memory_space<vmem>>, vector<1x16xi32>,
        %get3A_891 = vector.shape_cast %get3A_890 : vector<1x16xi32> to vector<16xi32>
        %shift_right_logical3A_892 = arith.constant 2 : i32
        %shift_right_logical3A_893 = vector.broadcast %shift_right_logical3A_892 : i32 to vector<16xi32>
        %shift_right_logical3A_894 = arith.shrui %get3A_891, %shift_right_logical3A_893 : vector<16xi32>
        %swap3A_895 = arith.constant 0 : i32
        %swap3A_896 = arith.index_cast %swap3A_895 : i32 to index
        %swap3A_897 = arith.constant 112 : index
        %swap3A_898 = tpu.vector_load %arg6[%swap3A_896, %swap3A_897] {strides = array<i32>} : memref<4x128xi32, #tpu.memory_space<vmem>>, vector<1x16xi32>,
        %swap3A_899 = vector.shape_cast %swap3A_898 : vector<1x16xi32> to vector<16xi32>
        %swap3A_900 = vector.shape_cast %shift_right_logical3A_894 : vector<16xi32> to vector<1x16xi32>
        tpu.vector_store %arg6[%swap3A_896, %swap3A_897], %swap3A_900 {strides = array<i32>} : memref<4x128xi32, #tpu.memory_space<vmem>>, vector<1x16xi32>,
        %dma_start3A_901 = arith.constant 0 : i32
        %dma_start3A_902 = arith.constant 0 : i32
        %dma_start3A_903 = arith.constant 0 : i32
        %dma_start3A_904 = arith.constant 0 : i32
        %dma_start3A_905 = arith.constant 0 : i32
        %dma_start3A_906 = tpu.memref_slice %arg7[%dma_start3A_902, %dma_start3A_904, %dma_start3A_905] : memref<4x128x128xf32, #tpu.memory_space<vmem>> -> memref<1x128x128xf32, #tpu.memory_space<vmem>>
        %dma_start3A_907 = tpu.memref_squeeze %dma_start3A_906 : memref<1x128x128xf32, #tpu.memory_space<vmem>> -> memref<128x128xf32, #tpu.memory_space<vmem>>
        %dma_start3A_908 = arith.constant 0 : i32
        %dma_start3A_909 = tpu.memref_slice %arg6[%dma_start3A_901, %dma_start3A_908] : memref<4x128xi32, #tpu.memory_space<vmem>> -> memref<1x128xi32, #tpu.memory_space<vmem>>
        %dma_start3A_910 = tpu.memref_squeeze %dma_start3A_909 : memref<1x128xi32, #tpu.memory_space<vmem>> -> memref<128xi32, #tpu.memory_space<vmem>>
        %dma_start3A_911 = arith.constant 0 : i32
        %dma_start3A_912 = arith.constant 0 : i32
        %dma_start3A_913 = tpu.memref_slice %arg3[%dma_start3A_911, %dma_start3A_912] : memref<250000x128xf32, #tpu.memory_space<hbm>> -> memref<250000x128xf32, #tpu.memory_space<hbm>>
        %dma_start3A_914 = tpu.memref_slice %arg8[%dma_start3A_903] : memref<4x!tpu.dma_semaphore, #tpu.memory_space<semaphore_mem>> -> memref<1x!tpu.dma_semaphore, #tpu.memory_space<semaphore_mem>>
        %dma_start3A_915 = tpu.memref_squeeze %dma_start3A_914 : memref<1x!tpu.dma_semaphore, #tpu.memory_space<semaphore_mem>> -> memref<!tpu.dma_semaphore, #tpu.memory_space<semaphore_mem>>
        tpu.enqueue_indirect_dma source(%dma_start3A_913 : memref<250000x128xf32, #tpu.memory_space<hbm>>) target(%dma_start3A_907 : memref<128x128xf32, #tpu.memory_space<vmem>>) offsets(%dma_start3A_910 : memref<128xi32, #tpu.memory_space<vmem>>) semaphore(%dma_start3A_915 : memref<!tpu.dma_semaphore, #tpu.memory_space<semaphore_mem>>)
      } else {
      }
      %mul3A_745 = arith.constant 4 : i32
      %mul3A_746 = arith.muli %scan3A_584, %mul3A_745 : i32
      %add3A_747 = arith.constant 1 : i32
      %add3A_748 = arith.addi %mul3A_746, %add3A_747 : i32
      %add3A_749 = arith.constant 4 : i32
      %add3A_750 = arith.addi %add3A_748, %add3A_749 : i32
      %lt3A_751 = arith.constant 104 : i32
      %lt3A_752 = arith.cmpi slt, %add3A_750, %lt3A_751 : i32
      %convert_element_type3A_753 = arith.extui %lt3A_752 : i1 to i32
      %cond3A_754 = arith.constant 0 : i32
      %cond3A_755 = arith.cmpi ne, %convert_element_type3A_753, %cond3A_754 : i32
      scf.if %cond3A_755 {
        %mul3A_778 = arith.constant 128 : i32
        %mul3A_779 = arith.muli %add3A_748, %mul3A_778 : i32
        %add3A_780 = arith.addi %mul3A_2, %mul3A_779 : i32
        %dma_wait3A_781 = arith.constant 1 : i32
        %dma_wait3A_782 = arith.constant 1 : i32
        %dma_wait3A_783 = arith.constant 0 : i32
        %dma_wait3A_784 = arith.constant 0 : i32
        %dma_wait3A_785 = tpu.memref_slice %arg7[%dma_wait3A_781, %dma_wait3A_783, %dma_wait3A_784] : memref<4x128x128xf32, #tpu.memory_space<vmem>> -> memref<1x128x128xf32, #tpu.memory_space<vmem>>
        %dma_wait3A_786 = tpu.memref_squeeze %dma_wait3A_785 : memref<1x128x128xf32, #tpu.memory_space<vmem>> -> memref<128x128xf32, #tpu.memory_space<vmem>>
        %dma_wait3A_787 = arith.constant 0 : i32
        %dma_wait3A_788 = tpu.memref_slice %arg4[%add3A_780, %dma_wait3A_787] : memref<425984x128xf32, #tpu.memory_space<hbm>> -> memref<128x128xf32, #tpu.memory_space<hbm>>
        %dma_wait3A_789 = tpu.memref_slice %arg9[%dma_wait3A_782] : memref<4x!tpu.dma_semaphore, #tpu.memory_space<semaphore_mem>> -> memref<1x!tpu.dma_semaphore, #tpu.memory_space<semaphore_mem>>
        %dma_wait3A_790 = tpu.memref_squeeze %dma_wait3A_789 : memref<1x!tpu.dma_semaphore, #tpu.memory_space<semaphore_mem>> -> memref<!tpu.dma_semaphore, #tpu.memory_space<semaphore_mem>>
        %dma_wait3A_791 = arith.constant 0 : i32
        %dma_wait3A_792 = tpu.memref_slice %arg4[%add3A_780, %dma_wait3A_791] : memref<425984x128xf32, #tpu.memory_space<hbm>> -> memref<128x128xf32, #tpu.memory_space<hbm>>
        %dma_wait3A_793 = arith.constant 0 : i32
        %dma_wait3A_794 = arith.constant 0 : i32
        %dma_wait3A_795 = tpu.memref_slice %arg7[%dma_wait3A_781, %dma_wait3A_793, %dma_wait3A_794] : memref<4x128x128xf32, #tpu.memory_space<vmem>> -> memref<1x128x128xf32, #tpu.memory_space<vmem>>
        %dma_wait3A_796 = tpu.memref_squeeze %dma_wait3A_795 : memref<1x128x128xf32, #tpu.memory_space<vmem>> -> memref<128x128xf32, #tpu.memory_space<vmem>>
        tpu.wait_dma2 semaphore(%dma_wait3A_790 : memref<!tpu.dma_semaphore, #tpu.memory_space<semaphore_mem>>) src(%dma_wait3A_796 : memref<128x128xf32, #tpu.memory_space<vmem>>) dst(%dma_wait3A_792 : memref<128x128xf32, #tpu.memory_space<hbm>>)
        %get3A_797 = arith.index_cast %add3A_750 : i32 to index
        %get3A_798 = arith.constant 0 : index
        %get3A_799 = tpu.vector_load %arg5[%get3A_797, %get3A_798] {strides = array<i32>} : memref<104x128xi32, #tpu.memory_space<vmem>>, vector<1x16xi32>,
        %get3A_800 = vector.shape_cast %get3A_799 : vector<1x16xi32> to vector<16xi32>
        %shift_right_logical3A_801 = arith.constant 2 : i32
        %shift_right_logical3A_802 = vector.broadcast %shift_right_logical3A_801 : i32 to vector<16xi32>
        %shift_right_logical3A_803 = arith.shrui %get3A_800, %shift_right_logical3A_802 : vector<16xi32>
        %swap3A_804 = arith.constant 1 : i32
        %swap3A_805 = arith.index_cast %swap3A_804 : i32 to index
        %swap3A_806 = arith.constant 0 : index
        %swap3A_807 = tpu.vector_load %arg6[%swap3A_805, %swap3A_806] {strides = array<i32>} : memref<4x128xi32, #tpu.memory_space<vmem>>, vector<1x16xi32>,
        %swap3A_808 = vector.shape_cast %swap3A_807 : vector<1x16xi32> to vector<16xi32>
        %swap3A_809 = vector.shape_cast %shift_right_logical3A_803 : vector<16xi32> to vector<1x16xi32>
        tpu.vector_store %arg6[%swap3A_805, %swap3A_806], %swap3A_809 {strides = array<i32>} : memref<4x128xi32, #tpu.memory_space<vmem>>, vector<1x16xi32>,
        %get3A_810 = arith.index_cast %add3A_750 : i32 to index
        %get3A_811 = arith.constant 16 : index
        %get3A_812 = tpu.vector_load %arg5[%get3A_810, %get3A_811] {strides = array<i32>} : memref<104x128xi32, #tpu.memory_space<vmem>>, vector<1x16xi32>,
        %get3A_813 = vector.shape_cast %get3A_812 : vector<1x16xi32> to vector<16xi32>
        %shift_right_logical3A_814 = arith.constant 2 : i32
        %shift_right_logical3A_815 = vector.broadcast %shift_right_logical3A_814 : i32 to vector<16xi32>
        %shift_right_logical3A_816 = arith.shrui %get3A_813, %shift_right_logical3A_815 : vector<16xi32>
        %swap3A_817 = arith.constant 1 : i32
        %swap3A_818 = arith.index_cast %swap3A_817 : i32 to index
        %swap3A_819 = arith.constant 16 : index
        %swap3A_820 = tpu.vector_load %arg6[%swap3A_818, %swap3A_819] {strides = array<i32>} : memref<4x128xi32, #tpu.memory_space<vmem>>, vector<1x16xi32>,
        %swap3A_821 = vector.shape_cast %swap3A_820 : vector<1x16xi32> to vector<16xi32>
        %swap3A_822 = vector.shape_cast %shift_right_logical3A_816 : vector<16xi32> to vector<1x16xi32>
        tpu.vector_store %arg6[%swap3A_818, %swap3A_819], %swap3A_822 {strides = array<i32>} : memref<4x128xi32, #tpu.memory_space<vmem>>, vector<1x16xi32>,
        %get3A_823 = arith.index_cast %add3A_750 : i32 to index
        %get3A_824 = arith.constant 32 : index
        %get3A_825 = tpu.vector_load %arg5[%get3A_823, %get3A_824] {strides = array<i32>} : memref<104x128xi32, #tpu.memory_space<vmem>>, vector<1x16xi32>,
        %get3A_826 = vector.shape_cast %get3A_825 : vector<1x16xi32> to vector<16xi32>
        %shift_right_logical3A_827 = arith.constant 2 : i32
        %shift_right_logical3A_828 = vector.broadcast %shift_right_logical3A_827 : i32 to vector<16xi32>
        %shift_right_logical3A_829 = arith.shrui %get3A_826, %shift_right_logical3A_828 : vector<16xi32>
        %swap3A_830 = arith.constant 1 : i32
        %swap3A_831 = arith.index_cast %swap3A_830 : i32 to index
        %swap3A_832 = arith.constant 32 : index
        %swap3A_833 = tpu.vector_load %arg6[%swap3A_831, %swap3A_832] {strides = array<i32>} : memref<4x128xi32, #tpu.memory_space<vmem>>, vector<1x16xi32>,
        %swap3A_834 = vector.shape_cast %swap3A_833 : vector<1x16xi32> to vector<16xi32>
        %swap3A_835 = vector.shape_cast %shift_right_logical3A_829 : vector<16xi32> to vector<1x16xi32>
        tpu.vector_store %arg6[%swap3A_831, %swap3A_832], %swap3A_835 {strides = array<i32>} : memref<4x128xi32, #tpu.memory_space<vmem>>, vector<1x16xi32>,
        %get3A_836 = arith.index_cast %add3A_750 : i32 to index
        %get3A_837 = arith.constant 48 : index
        %get3A_838 = tpu.vector_load %arg5[%get3A_836, %get3A_837] {strides = array<i32>} : memref<104x128xi32, #tpu.memory_space<vmem>>, vector<1x16xi32>,
        %get3A_839 = vector.shape_cast %get3A_838 : vector<1x16xi32> to vector<16xi32>
        %shift_right_logical3A_840 = arith.constant 2 : i32
        %shift_right_logical3A_841 = vector.broadcast %shift_right_logical3A_840 : i32 to vector<16xi32>
        %shift_right_logical3A_842 = arith.shrui %get3A_839, %shift_right_logical3A_841 : vector<16xi32>
        %swap3A_843 = arith.constant 1 : i32
        %swap3A_844 = arith.index_cast %swap3A_843 : i32 to index
        %swap3A_845 = arith.constant 48 : index
        %swap3A_846 = tpu.vector_load %arg6[%swap3A_844, %swap3A_845] {strides = array<i32>} : memref<4x128xi32, #tpu.memory_space<vmem>>, vector<1x16xi32>,
        %swap3A_847 = vector.shape_cast %swap3A_846 : vector<1x16xi32> to vector<16xi32>
        %swap3A_848 = vector.shape_cast %shift_right_logical3A_842 : vector<16xi32> to vector<1x16xi32>
        tpu.vector_store %arg6[%swap3A_844, %swap3A_845], %swap3A_848 {strides = array<i32>} : memref<4x128xi32, #tpu.memory_space<vmem>>, vector<1x16xi32>,
        %get3A_849 = arith.index_cast %add3A_750 : i32 to index
        %get3A_850 = arith.constant 64 : index
        %get3A_851 = tpu.vector_load %arg5[%get3A_849, %get3A_850] {strides = array<i32>} : memref<104x128xi32, #tpu.memory_space<vmem>>, vector<1x16xi32>,
        %get3A_852 = vector.shape_cast %get3A_851 : vector<1x16xi32> to vector<16xi32>
        %shift_right_logical3A_853 = arith.constant 2 : i32
        %shift_right_logical3A_854 = vector.broadcast %shift_right_logical3A_853 : i32 to vector<16xi32>
        %shift_right_logical3A_855 = arith.shrui %get3A_852, %shift_right_logical3A_854 : vector<16xi32>
        %swap3A_856 = arith.constant 1 : i32
        %swap3A_857 = arith.index_cast %swap3A_856 : i32 to index
        %swap3A_858 = arith.constant 64 : index
        %swap3A_859 = tpu.vector_load %arg6[%swap3A_857, %swap3A_858] {strides = array<i32>} : memref<4x128xi32, #tpu.memory_space<vmem>>, vector<1x16xi32>,
        %swap3A_860 = vector.shape_cast %swap3A_859 : vector<1x16xi32> to vector<16xi32>
        %swap3A_861 = vector.shape_cast %shift_right_logical3A_855 : vector<16xi32> to vector<1x16xi32>
        tpu.vector_store %arg6[%swap3A_857, %swap3A_858], %swap3A_861 {strides = array<i32>} : memref<4x128xi32, #tpu.memory_space<vmem>>, vector<1x16xi32>,
        %get3A_862 = arith.index_cast %add3A_750 : i32 to index
        %get3A_863 = arith.constant 80 : index
        %get3A_864 = tpu.vector_load %arg5[%get3A_862, %get3A_863] {strides = array<i32>} : memref<104x128xi32, #tpu.memory_space<vmem>>, vector<1x16xi32>,
        %get3A_865 = vector.shape_cast %get3A_864 : vector<1x16xi32> to vector<16xi32>
        %shift_right_logical3A_866 = arith.constant 2 : i32
        %shift_right_logical3A_867 = vector.broadcast %shift_right_logical3A_866 : i32 to vector<16xi32>
        %shift_right_logical3A_868 = arith.shrui %get3A_865, %shift_right_logical3A_867 : vector<16xi32>
        %swap3A_869 = arith.constant 1 : i32
        %swap3A_870 = arith.index_cast %swap3A_869 : i32 to index
        %swap3A_871 = arith.constant 80 : index
        %swap3A_872 = tpu.vector_load %arg6[%swap3A_870, %swap3A_871] {strides = array<i32>} : memref<4x128xi32, #tpu.memory_space<vmem>>, vector<1x16xi32>,
        %swap3A_873 = vector.shape_cast %swap3A_872 : vector<1x16xi32> to vector<16xi32>
        %swap3A_874 = vector.shape_cast %shift_right_logical3A_868 : vector<16xi32> to vector<1x16xi32>
        tpu.vector_store %arg6[%swap3A_870, %swap3A_871], %swap3A_874 {strides = array<i32>} : memref<4x128xi32, #tpu.memory_space<vmem>>, vector<1x16xi32>,
        %get3A_875 = arith.index_cast %add3A_750 : i32 to index
        %get3A_876 = arith.constant 96 : index
        %get3A_877 = tpu.vector_load %arg5[%get3A_875, %get3A_876] {strides = array<i32>} : memref<104x128xi32, #tpu.memory_space<vmem>>, vector<1x16xi32>,
        %get3A_878 = vector.shape_cast %get3A_877 : vector<1x16xi32> to vector<16xi32>
        %shift_right_logical3A_879 = arith.constant 2 : i32
        %shift_right_logical3A_880 = vector.broadcast %shift_right_logical3A_879 : i32 to vector<16xi32>
        %shift_right_logical3A_881 = arith.shrui %get3A_878, %shift_right_logical3A_880 : vector<16xi32>
        %swap3A_882 = arith.constant 1 : i32
        %swap3A_883 = arith.index_cast %swap3A_882 : i32 to index
        %swap3A_884 = arith.constant 96 : index
        %swap3A_885 = tpu.vector_load %arg6[%swap3A_883, %swap3A_884] {strides = array<i32>} : memref<4x128xi32, #tpu.memory_space<vmem>>, vector<1x16xi32>,
        %swap3A_886 = vector.shape_cast %swap3A_885 : vector<1x16xi32> to vector<16xi32>
        %swap3A_887 = vector.shape_cast %shift_right_logical3A_881 : vector<16xi32> to vector<1x16xi32>
        tpu.vector_store %arg6[%swap3A_883, %swap3A_884], %swap3A_887 {strides = array<i32>} : memref<4x128xi32, #tpu.memory_space<vmem>>, vector<1x16xi32>,
        %get3A_888 = arith.index_cast %add3A_750 : i32 to index
        %get3A_889 = arith.constant 112 : index
        %get3A_890 = tpu.vector_load %arg5[%get3A_888, %get3A_889] {strides = array<i32>} : memref<104x128xi32, #tpu.memory_space<vmem>>, vector<1x16xi32>,
        %get3A_891 = vector.shape_cast %get3A_890 : vector<1x16xi32> to vector<16xi32>
        %shift_right_logical3A_892 = arith.constant 2 : i32
        %shift_right_logical3A_893 = vector.broadcast %shift_right_logical3A_892 : i32 to vector<16xi32>
        %shift_right_logical3A_894 = arith.shrui %get3A_891, %shift_right_logical3A_893 : vector<16xi32>
        %swap3A_895 = arith.constant 1 : i32
        %swap3A_896 = arith.index_cast %swap3A_895 : i32 to index
        %swap3A_897 = arith.constant 112 : index
        %swap3A_898 = tpu.vector_load %arg6[%swap3A_896, %swap3A_897] {strides = array<i32>} : memref<4x128xi32, #tpu.memory_space<vmem>>, vector<1x16xi32>,
        %swap3A_899 = vector.shape_cast %swap3A_898 : vector<1x16xi32> to vector<16xi32>
        %swap3A_900 = vector.shape_cast %shift_right_logical3A_894 : vector<16xi32> to vector<1x16xi32>
        tpu.vector_store %arg6[%swap3A_896, %swap3A_897], %swap3A_900 {strides = array<i32>} : memref<4x128xi32, #tpu.memory_space<vmem>>, vector<1x16xi32>,
        %dma_start3A_901 = arith.constant 1 : i32
        %dma_start3A_902 = arith.constant 1 : i32
        %dma_start3A_903 = arith.constant 1 : i32
        %dma_start3A_904 = arith.constant 0 : i32
        %dma_start3A_905 = arith.constant 0 : i32
        %dma_start3A_906 = tpu.memref_slice %arg7[%dma_start3A_902, %dma_start3A_904, %dma_start3A_905] : memref<4x128x128xf32, #tpu.memory_space<vmem>> -> memref<1x128x128xf32, #tpu.memory_space<vmem>>
        %dma_start3A_907 = tpu.memref_squeeze %dma_start3A_906 : memref<1x128x128xf32, #tpu.memory_space<vmem>> -> memref<128x128xf32, #tpu.memory_space<vmem>>
        %dma_start3A_908 = arith.constant 0 : i32
        %dma_start3A_909 = tpu.memref_slice %arg6[%dma_start3A_901, %dma_start3A_908] : memref<4x128xi32, #tpu.memory_space<vmem>> -> memref<1x128xi32, #tpu.memory_space<vmem>>
        %dma_start3A_910 = tpu.memref_squeeze %dma_start3A_909 : memref<1x128xi32, #tpu.memory_space<vmem>> -> memref<128xi32, #tpu.memory_space<vmem>>
        %dma_start3A_911 = arith.constant 0 : i32
        %dma_start3A_912 = arith.constant 0 : i32
        %dma_start3A_913 = tpu.memref_slice %arg3[%dma_start3A_911, %dma_start3A_912] : memref<250000x128xf32, #tpu.memory_space<hbm>> -> memref<250000x128xf32, #tpu.memory_space<hbm>>
        %dma_start3A_914 = tpu.memref_slice %arg8[%dma_start3A_903] : memref<4x!tpu.dma_semaphore, #tpu.memory_space<semaphore_mem>> -> memref<1x!tpu.dma_semaphore, #tpu.memory_space<semaphore_mem>>
        %dma_start3A_915 = tpu.memref_squeeze %dma_start3A_914 : memref<1x!tpu.dma_semaphore, #tpu.memory_space<semaphore_mem>> -> memref<!tpu.dma_semaphore, #tpu.memory_space<semaphore_mem>>
        tpu.enqueue_indirect_dma source(%dma_start3A_913 : memref<250000x128xf32, #tpu.memory_space<hbm>>) target(%dma_start3A_907 : memref<128x128xf32, #tpu.memory_space<vmem>>) offsets(%dma_start3A_910 : memref<128xi32, #tpu.memory_space<vmem>>) semaphore(%dma_start3A_915 : memref<!tpu.dma_semaphore, #tpu.memory_space<semaphore_mem>>)
      } else {
      }
      %mul3A_756 = arith.constant 4 : i32
      %mul3A_757 = arith.muli %scan3A_584, %mul3A_756 : i32
      %add3A_758 = arith.constant 2 : i32
      %add3A_759 = arith.addi %mul3A_757, %add3A_758 : i32
      %add3A_760 = arith.constant 4 : i32
      %add3A_761 = arith.addi %add3A_759, %add3A_760 : i32
      %lt3A_762 = arith.constant 104 : i32
      %lt3A_763 = arith.cmpi slt, %add3A_761, %lt3A_762 : i32
      %convert_element_type3A_764 = arith.extui %lt3A_763 : i1 to i32
      %cond3A_765 = arith.constant 0 : i32
      %cond3A_766 = arith.cmpi ne, %convert_element_type3A_764, %cond3A_765 : i32
      scf.if %cond3A_766 {
        %mul3A_778 = arith.constant 128 : i32
        %mul3A_779 = arith.muli %add3A_759, %mul3A_778 : i32
        %add3A_780 = arith.addi %mul3A_2, %mul3A_779 : i32
        %dma_wait3A_781 = arith.constant 2 : i32
        %dma_wait3A_782 = arith.constant 2 : i32
        %dma_wait3A_783 = arith.constant 0 : i32
        %dma_wait3A_784 = arith.constant 0 : i32
        %dma_wait3A_785 = tpu.memref_slice %arg7[%dma_wait3A_781, %dma_wait3A_783, %dma_wait3A_784] : memref<4x128x128xf32, #tpu.memory_space<vmem>> -> memref<1x128x128xf32, #tpu.memory_space<vmem>>
        %dma_wait3A_786 = tpu.memref_squeeze %dma_wait3A_785 : memref<1x128x128xf32, #tpu.memory_space<vmem>> -> memref<128x128xf32, #tpu.memory_space<vmem>>
        %dma_wait3A_787 = arith.constant 0 : i32
        %dma_wait3A_788 = tpu.memref_slice %arg4[%add3A_780, %dma_wait3A_787] : memref<425984x128xf32, #tpu.memory_space<hbm>> -> memref<128x128xf32, #tpu.memory_space<hbm>>
        %dma_wait3A_789 = tpu.memref_slice %arg9[%dma_wait3A_782] : memref<4x!tpu.dma_semaphore, #tpu.memory_space<semaphore_mem>> -> memref<1x!tpu.dma_semaphore, #tpu.memory_space<semaphore_mem>>
        %dma_wait3A_790 = tpu.memref_squeeze %dma_wait3A_789 : memref<1x!tpu.dma_semaphore, #tpu.memory_space<semaphore_mem>> -> memref<!tpu.dma_semaphore, #tpu.memory_space<semaphore_mem>>
        %dma_wait3A_791 = arith.constant 0 : i32
        %dma_wait3A_792 = tpu.memref_slice %arg4[%add3A_780, %dma_wait3A_791] : memref<425984x128xf32, #tpu.memory_space<hbm>> -> memref<128x128xf32, #tpu.memory_space<hbm>>
        %dma_wait3A_793 = arith.constant 0 : i32
        %dma_wait3A_794 = arith.constant 0 : i32
        %dma_wait3A_795 = tpu.memref_slice %arg7[%dma_wait3A_781, %dma_wait3A_793, %dma_wait3A_794] : memref<4x128x128xf32, #tpu.memory_space<vmem>> -> memref<1x128x128xf32, #tpu.memory_space<vmem>>
        %dma_wait3A_796 = tpu.memref_squeeze %dma_wait3A_795 : memref<1x128x128xf32, #tpu.memory_space<vmem>> -> memref<128x128xf32, #tpu.memory_space<vmem>>
        tpu.wait_dma2 semaphore(%dma_wait3A_790 : memref<!tpu.dma_semaphore, #tpu.memory_space<semaphore_mem>>) src(%dma_wait3A_796 : memref<128x128xf32, #tpu.memory_space<vmem>>) dst(%dma_wait3A_792 : memref<128x128xf32, #tpu.memory_space<hbm>>)
        %get3A_797 = arith.index_cast %add3A_761 : i32 to index
        %get3A_798 = arith.constant 0 : index
        %get3A_799 = tpu.vector_load %arg5[%get3A_797, %get3A_798] {strides = array<i32>} : memref<104x128xi32, #tpu.memory_space<vmem>>, vector<1x16xi32>,
        %get3A_800 = vector.shape_cast %get3A_799 : vector<1x16xi32> to vector<16xi32>
        %shift_right_logical3A_801 = arith.constant 2 : i32
        %shift_right_logical3A_802 = vector.broadcast %shift_right_logical3A_801 : i32 to vector<16xi32>
        %shift_right_logical3A_803 = arith.shrui %get3A_800, %shift_right_logical3A_802 : vector<16xi32>
        %swap3A_804 = arith.constant 2 : i32
        %swap3A_805 = arith.index_cast %swap3A_804 : i32 to index
        %swap3A_806 = arith.constant 0 : index
        %swap3A_807 = tpu.vector_load %arg6[%swap3A_805, %swap3A_806] {strides = array<i32>} : memref<4x128xi32, #tpu.memory_space<vmem>>, vector<1x16xi32>,
        %swap3A_808 = vector.shape_cast %swap3A_807 : vector<1x16xi32> to vector<16xi32>
        %swap3A_809 = vector.shape_cast %shift_right_logical3A_803 : vector<16xi32> to vector<1x16xi32>
        tpu.vector_store %arg6[%swap3A_805, %swap3A_806], %swap3A_809 {strides = array<i32>} : memref<4x128xi32, #tpu.memory_space<vmem>>, vector<1x16xi32>,
        %get3A_810 = arith.index_cast %add3A_761 : i32 to index
        %get3A_811 = arith.constant 16 : index
        %get3A_812 = tpu.vector_load %arg5[%get3A_810, %get3A_811] {strides = array<i32>} : memref<104x128xi32, #tpu.memory_space<vmem>>, vector<1x16xi32>,
        %get3A_813 = vector.shape_cast %get3A_812 : vector<1x16xi32> to vector<16xi32>
        %shift_right_logical3A_814 = arith.constant 2 : i32
        %shift_right_logical3A_815 = vector.broadcast %shift_right_logical3A_814 : i32 to vector<16xi32>
        %shift_right_logical3A_816 = arith.shrui %get3A_813, %shift_right_logical3A_815 : vector<16xi32>
        %swap3A_817 = arith.constant 2 : i32
        %swap3A_818 = arith.index_cast %swap3A_817 : i32 to index
        %swap3A_819 = arith.constant 16 : index
        %swap3A_820 = tpu.vector_load %arg6[%swap3A_818, %swap3A_819] {strides = array<i32>} : memref<4x128xi32, #tpu.memory_space<vmem>>, vector<1x16xi32>,
        %swap3A_821 = vector.shape_cast %swap3A_820 : vector<1x16xi32> to vector<16xi32>
        %swap3A_822 = vector.shape_cast %shift_right_logical3A_816 : vector<16xi32> to vector<1x16xi32>
        tpu.vector_store %arg6[%swap3A_818, %swap3A_819], %swap3A_822 {strides = array<i32>} : memref<4x128xi32, #tpu.memory_space<vmem>>, vector<1x16xi32>,
        %get3A_823 = arith.index_cast %add3A_761 : i32 to index
        %get3A_824 = arith.constant 32 : index
        %get3A_825 = tpu.vector_load %arg5[%get3A_823, %get3A_824] {strides = array<i32>} : memref<104x128xi32, #tpu.memory_space<vmem>>, vector<1x16xi32>,
        %get3A_826 = vector.shape_cast %get3A_825 : vector<1x16xi32> to vector<16xi32>
        %shift_right_logical3A_827 = arith.constant 2 : i32
        %shift_right_logical3A_828 = vector.broadcast %shift_right_logical3A_827 : i32 to vector<16xi32>
        %shift_right_logical3A_829 = arith.shrui %get3A_826, %shift_right_logical3A_828 : vector<16xi32>
        %swap3A_830 = arith.constant 2 : i32
        %swap3A_831 = arith.index_cast %swap3A_830 : i32 to index
        %swap3A_832 = arith.constant 32 : index
        %swap3A_833 = tpu.vector_load %arg6[%swap3A_831, %swap3A_832] {strides = array<i32>} : memref<4x128xi32, #tpu.memory_space<vmem>>, vector<1x16xi32>,
        %swap3A_834 = vector.shape_cast %swap3A_833 : vector<1x16xi32> to vector<16xi32>
        %swap3A_835 = vector.shape_cast %shift_right_logical3A_829 : vector<16xi32> to vector<1x16xi32>
        tpu.vector_store %arg6[%swap3A_831, %swap3A_832], %swap3A_835 {strides = array<i32>} : memref<4x128xi32, #tpu.memory_space<vmem>>, vector<1x16xi32>,
        %get3A_836 = arith.index_cast %add3A_761 : i32 to index
        %get3A_837 = arith.constant 48 : index
        %get3A_838 = tpu.vector_load %arg5[%get3A_836, %get3A_837] {strides = array<i32>} : memref<104x128xi32, #tpu.memory_space<vmem>>, vector<1x16xi32>,
        %get3A_839 = vector.shape_cast %get3A_838 : vector<1x16xi32> to vector<16xi32>
        %shift_right_logical3A_840 = arith.constant 2 : i32
        %shift_right_logical3A_841 = vector.broadcast %shift_right_logical3A_840 : i32 to vector<16xi32>
        %shift_right_logical3A_842 = arith.shrui %get3A_839, %shift_right_logical3A_841 : vector<16xi32>
        %swap3A_843 = arith.constant 2 : i32
        %swap3A_844 = arith.index_cast %swap3A_843 : i32 to index
        %swap3A_845 = arith.constant 48 : index
        %swap3A_846 = tpu.vector_load %arg6[%swap3A_844, %swap3A_845] {strides = array<i32>} : memref<4x128xi32, #tpu.memory_space<vmem>>, vector<1x16xi32>,
        %swap3A_847 = vector.shape_cast %swap3A_846 : vector<1x16xi32> to vector<16xi32>
        %swap3A_848 = vector.shape_cast %shift_right_logical3A_842 : vector<16xi32> to vector<1x16xi32>
        tpu.vector_store %arg6[%swap3A_844, %swap3A_845], %swap3A_848 {strides = array<i32>} : memref<4x128xi32, #tpu.memory_space<vmem>>, vector<1x16xi32>,
        %get3A_849 = arith.index_cast %add3A_761 : i32 to index
        %get3A_850 = arith.constant 64 : index
        %get3A_851 = tpu.vector_load %arg5[%get3A_849, %get3A_850] {strides = array<i32>} : memref<104x128xi32, #tpu.memory_space<vmem>>, vector<1x16xi32>,
        %get3A_852 = vector.shape_cast %get3A_851 : vector<1x16xi32> to vector<16xi32>
        %shift_right_logical3A_853 = arith.constant 2 : i32
        %shift_right_logical3A_854 = vector.broadcast %shift_right_logical3A_853 : i32 to vector<16xi32>
        %shift_right_logical3A_855 = arith.shrui %get3A_852, %shift_right_logical3A_854 : vector<16xi32>
        %swap3A_856 = arith.constant 2 : i32
        %swap3A_857 = arith.index_cast %swap3A_856 : i32 to index
        %swap3A_858 = arith.constant 64 : index
        %swap3A_859 = tpu.vector_load %arg6[%swap3A_857, %swap3A_858] {strides = array<i32>} : memref<4x128xi32, #tpu.memory_space<vmem>>, vector<1x16xi32>,
        %swap3A_860 = vector.shape_cast %swap3A_859 : vector<1x16xi32> to vector<16xi32>
        %swap3A_861 = vector.shape_cast %shift_right_logical3A_855 : vector<16xi32> to vector<1x16xi32>
        tpu.vector_store %arg6[%swap3A_857, %swap3A_858], %swap3A_861 {strides = array<i32>} : memref<4x128xi32, #tpu.memory_space<vmem>>, vector<1x16xi32>,
        %get3A_862 = arith.index_cast %add3A_761 : i32 to index
        %get3A_863 = arith.constant 80 : index
        %get3A_864 = tpu.vector_load %arg5[%get3A_862, %get3A_863] {strides = array<i32>} : memref<104x128xi32, #tpu.memory_space<vmem>>, vector<1x16xi32>,
        %get3A_865 = vector.shape_cast %get3A_864 : vector<1x16xi32> to vector<16xi32>
        %shift_right_logical3A_866 = arith.constant 2 : i32
        %shift_right_logical3A_867 = vector.broadcast %shift_right_logical3A_866 : i32 to vector<16xi32>
        %shift_right_logical3A_868 = arith.shrui %get3A_865, %shift_right_logical3A_867 : vector<16xi32>
        %swap3A_869 = arith.constant 2 : i32
        %swap3A_870 = arith.index_cast %swap3A_869 : i32 to index
        %swap3A_871 = arith.constant 80 : index
        %swap3A_872 = tpu.vector_load %arg6[%swap3A_870, %swap3A_871] {strides = array<i32>} : memref<4x128xi32, #tpu.memory_space<vmem>>, vector<1x16xi32>,
        %swap3A_873 = vector.shape_cast %swap3A_872 : vector<1x16xi32> to vector<16xi32>
        %swap3A_874 = vector.shape_cast %shift_right_logical3A_868 : vector<16xi32> to vector<1x16xi32>
        tpu.vector_store %arg6[%swap3A_870, %swap3A_871], %swap3A_874 {strides = array<i32>} : memref<4x128xi32, #tpu.memory_space<vmem>>, vector<1x16xi32>,
        %get3A_875 = arith.index_cast %add3A_761 : i32 to index
        %get3A_876 = arith.constant 96 : index
        %get3A_877 = tpu.vector_load %arg5[%get3A_875, %get3A_876] {strides = array<i32>} : memref<104x128xi32, #tpu.memory_space<vmem>>, vector<1x16xi32>,
        %get3A_878 = vector.shape_cast %get3A_877 : vector<1x16xi32> to vector<16xi32>
        %shift_right_logical3A_879 = arith.constant 2 : i32
        %shift_right_logical3A_880 = vector.broadcast %shift_right_logical3A_879 : i32 to vector<16xi32>
        %shift_right_logical3A_881 = arith.shrui %get3A_878, %shift_right_logical3A_880 : vector<16xi32>
        %swap3A_882 = arith.constant 2 : i32
        %swap3A_883 = arith.index_cast %swap3A_882 : i32 to index
        %swap3A_884 = arith.constant 96 : index
        %swap3A_885 = tpu.vector_load %arg6[%swap3A_883, %swap3A_884] {strides = array<i32>} : memref<4x128xi32, #tpu.memory_space<vmem>>, vector<1x16xi32>,
        %swap3A_886 = vector.shape_cast %swap3A_885 : vector<1x16xi32> to vector<16xi32>
        %swap3A_887 = vector.shape_cast %shift_right_logical3A_881 : vector<16xi32> to vector<1x16xi32>
        tpu.vector_store %arg6[%swap3A_883, %swap3A_884], %swap3A_887 {strides = array<i32>} : memref<4x128xi32, #tpu.memory_space<vmem>>, vector<1x16xi32>,
        %get3A_888 = arith.index_cast %add3A_761 : i32 to index
        %get3A_889 = arith.constant 112 : index
        %get3A_890 = tpu.vector_load %arg5[%get3A_888, %get3A_889] {strides = array<i32>} : memref<104x128xi32, #tpu.memory_space<vmem>>, vector<1x16xi32>,
        %get3A_891 = vector.shape_cast %get3A_890 : vector<1x16xi32> to vector<16xi32>
        %shift_right_logical3A_892 = arith.constant 2 : i32
        %shift_right_logical3A_893 = vector.broadcast %shift_right_logical3A_892 : i32 to vector<16xi32>
        %shift_right_logical3A_894 = arith.shrui %get3A_891, %shift_right_logical3A_893 : vector<16xi32>
        %swap3A_895 = arith.constant 2 : i32
        %swap3A_896 = arith.index_cast %swap3A_895 : i32 to index
        %swap3A_897 = arith.constant 112 : index
        %swap3A_898 = tpu.vector_load %arg6[%swap3A_896, %swap3A_897] {strides = array<i32>} : memref<4x128xi32, #tpu.memory_space<vmem>>, vector<1x16xi32>,
        %swap3A_899 = vector.shape_cast %swap3A_898 : vector<1x16xi32> to vector<16xi32>
        %swap3A_900 = vector.shape_cast %shift_right_logical3A_894 : vector<16xi32> to vector<1x16xi32>
        tpu.vector_store %arg6[%swap3A_896, %swap3A_897], %swap3A_900 {strides = array<i32>} : memref<4x128xi32, #tpu.memory_space<vmem>>, vector<1x16xi32>,
        %dma_start3A_901 = arith.constant 2 : i32
        %dma_start3A_902 = arith.constant 2 : i32
        %dma_start3A_903 = arith.constant 2 : i32
        %dma_start3A_904 = arith.constant 0 : i32
        %dma_start3A_905 = arith.constant 0 : i32
        %dma_start3A_906 = tpu.memref_slice %arg7[%dma_start3A_902, %dma_start3A_904, %dma_start3A_905] : memref<4x128x128xf32, #tpu.memory_space<vmem>> -> memref<1x128x128xf32, #tpu.memory_space<vmem>>
        %dma_start3A_907 = tpu.memref_squeeze %dma_start3A_906 : memref<1x128x128xf32, #tpu.memory_space<vmem>> -> memref<128x128xf32, #tpu.memory_space<vmem>>
        %dma_start3A_908 = arith.constant 0 : i32
        %dma_start3A_909 = tpu.memref_slice %arg6[%dma_start3A_901, %dma_start3A_908] : memref<4x128xi32, #tpu.memory_space<vmem>> -> memref<1x128xi32, #tpu.memory_space<vmem>>
        %dma_start3A_910 = tpu.memref_squeeze %dma_start3A_909 : memref<1x128xi32, #tpu.memory_space<vmem>> -> memref<128xi32, #tpu.memory_space<vmem>>
        %dma_start3A_911 = arith.constant 0 : i32
        %dma_start3A_912 = arith.constant 0 : i32
        %dma_start3A_913 = tpu.memref_slice %arg3[%dma_start3A_911, %dma_start3A_912] : memref<250000x128xf32, #tpu.memory_space<hbm>> -> memref<250000x128xf32, #tpu.memory_space<hbm>>
        %dma_start3A_914 = tpu.memref_slice %arg8[%dma_start3A_903] : memref<4x!tpu.dma_semaphore, #tpu.memory_space<semaphore_mem>> -> memref<1x!tpu.dma_semaphore, #tpu.memory_space<semaphore_mem>>
        %dma_start3A_915 = tpu.memref_squeeze %dma_start3A_914 : memref<1x!tpu.dma_semaphore, #tpu.memory_space<semaphore_mem>> -> memref<!tpu.dma_semaphore, #tpu.memory_space<semaphore_mem>>
        tpu.enqueue_indirect_dma source(%dma_start3A_913 : memref<250000x128xf32, #tpu.memory_space<hbm>>) target(%dma_start3A_907 : memref<128x128xf32, #tpu.memory_space<vmem>>) offsets(%dma_start3A_910 : memref<128xi32, #tpu.memory_space<vmem>>) semaphore(%dma_start3A_915 : memref<!tpu.dma_semaphore, #tpu.memory_space<semaphore_mem>>)
      } else {
      }
      %mul3A_767 = arith.constant 4 : i32
      %mul3A_768 = arith.muli %scan3A_584, %mul3A_767 : i32
      %add3A_769 = arith.constant 3 : i32
      %add3A_770 = arith.addi %mul3A_768, %add3A_769 : i32
      %add3A_771 = arith.constant 4 : i32
      %add3A_772 = arith.addi %add3A_770, %add3A_771 : i32
      %lt3A_773 = arith.constant 104 : i32
      %lt3A_774 = arith.cmpi slt, %add3A_772, %lt3A_773 : i32
      %convert_element_type3A_775 = arith.extui %lt3A_774 : i1 to i32
      %cond3A_776 = arith.constant 0 : i32
      %cond3A_777 = arith.cmpi ne, %convert_element_type3A_775, %cond3A_776 : i32
      scf.if %cond3A_777 {
        %mul3A_778 = arith.constant 128 : i32
        %mul3A_779 = arith.muli %add3A_770, %mul3A_778 : i32
        %add3A_780 = arith.addi %mul3A_2, %mul3A_779 : i32
        %dma_wait3A_781 = arith.constant 3 : i32
        %dma_wait3A_782 = arith.constant 3 : i32
        %dma_wait3A_783 = arith.constant 0 : i32
        %dma_wait3A_784 = arith.constant 0 : i32
        %dma_wait3A_785 = tpu.memref_slice %arg7[%dma_wait3A_781, %dma_wait3A_783, %dma_wait3A_784] : memref<4x128x128xf32, #tpu.memory_space<vmem>> -> memref<1x128x128xf32, #tpu.memory_space<vmem>>
        %dma_wait3A_786 = tpu.memref_squeeze %dma_wait3A_785 : memref<1x128x128xf32, #tpu.memory_space<vmem>> -> memref<128x128xf32, #tpu.memory_space<vmem>>
        %dma_wait3A_787 = arith.constant 0 : i32
        %dma_wait3A_788 = tpu.memref_slice %arg4[%add3A_780, %dma_wait3A_787] : memref<425984x128xf32, #tpu.memory_space<hbm>> -> memref<128x128xf32, #tpu.memory_space<hbm>>
        %dma_wait3A_789 = tpu.memref_slice %arg9[%dma_wait3A_782] : memref<4x!tpu.dma_semaphore, #tpu.memory_space<semaphore_mem>> -> memref<1x!tpu.dma_semaphore, #tpu.memory_space<semaphore_mem>>
        %dma_wait3A_790 = tpu.memref_squeeze %dma_wait3A_789 : memref<1x!tpu.dma_semaphore, #tpu.memory_space<semaphore_mem>> -> memref<!tpu.dma_semaphore, #tpu.memory_space<semaphore_mem>>
        %dma_wait3A_791 = arith.constant 0 : i32
        %dma_wait3A_792 = tpu.memref_slice %arg4[%add3A_780, %dma_wait3A_791] : memref<425984x128xf32, #tpu.memory_space<hbm>> -> memref<128x128xf32, #tpu.memory_space<hbm>>
        %dma_wait3A_793 = arith.constant 0 : i32
        %dma_wait3A_794 = arith.constant 0 : i32
        %dma_wait3A_795 = tpu.memref_slice %arg7[%dma_wait3A_781, %dma_wait3A_793, %dma_wait3A_794] : memref<4x128x128xf32, #tpu.memory_space<vmem>> -> memref<1x128x128xf32, #tpu.memory_space<vmem>>
        %dma_wait3A_796 = tpu.memref_squeeze %dma_wait3A_795 : memref<1x128x128xf32, #tpu.memory_space<vmem>> -> memref<128x128xf32, #tpu.memory_space<vmem>>
        tpu.wait_dma2 semaphore(%dma_wait3A_790 : memref<!tpu.dma_semaphore, #tpu.memory_space<semaphore_mem>>) src(%dma_wait3A_796 : memref<128x128xf32, #tpu.memory_space<vmem>>) dst(%dma_wait3A_792 : memref<128x128xf32, #tpu.memory_space<hbm>>)
        %get3A_797 = arith.index_cast %add3A_772 : i32 to index
        %get3A_798 = arith.constant 0 : index
        %get3A_799 = tpu.vector_load %arg5[%get3A_797, %get3A_798] {strides = array<i32>} : memref<104x128xi32, #tpu.memory_space<vmem>>, vector<1x16xi32>,
        %get3A_800 = vector.shape_cast %get3A_799 : vector<1x16xi32> to vector<16xi32>
        %shift_right_logical3A_801 = arith.constant 2 : i32
        %shift_right_logical3A_802 = vector.broadcast %shift_right_logical3A_801 : i32 to vector<16xi32>
        %shift_right_logical3A_803 = arith.shrui %get3A_800, %shift_right_logical3A_802 : vector<16xi32>
        %swap3A_804 = arith.constant 3 : i32
        %swap3A_805 = arith.index_cast %swap3A_804 : i32 to index
        %swap3A_806 = arith.constant 0 : index
        %swap3A_807 = tpu.vector_load %arg6[%swap3A_805, %swap3A_806] {strides = array<i32>} : memref<4x128xi32, #tpu.memory_space<vmem>>, vector<1x16xi32>,
        %swap3A_808 = vector.shape_cast %swap3A_807 : vector<1x16xi32> to vector<16xi32>
        %swap3A_809 = vector.shape_cast %shift_right_logical3A_803 : vector<16xi32> to vector<1x16xi32>
        tpu.vector_store %arg6[%swap3A_805, %swap3A_806], %swap3A_809 {strides = array<i32>} : memref<4x128xi32, #tpu.memory_space<vmem>>, vector<1x16xi32>,
        %get3A_810 = arith.index_cast %add3A_772 : i32 to index
        %get3A_811 = arith.constant 16 : index
        %get3A_812 = tpu.vector_load %arg5[%get3A_810, %get3A_811] {strides = array<i32>} : memref<104x128xi32, #tpu.memory_space<vmem>>, vector<1x16xi32>,
        %get3A_813 = vector.shape_cast %get3A_812 : vector<1x16xi32> to vector<16xi32>
        %shift_right_logical3A_814 = arith.constant 2 : i32
        %shift_right_logical3A_815 = vector.broadcast %shift_right_logical3A_814 : i32 to vector<16xi32>
        %shift_right_logical3A_816 = arith.shrui %get3A_813, %shift_right_logical3A_815 : vector<16xi32>
        %swap3A_817 = arith.constant 3 : i32
        %swap3A_818 = arith.index_cast %swap3A_817 : i32 to index
        %swap3A_819 = arith.constant 16 : index
        %swap3A_820 = tpu.vector_load %arg6[%swap3A_818, %swap3A_819] {strides = array<i32>} : memref<4x128xi32, #tpu.memory_space<vmem>>, vector<1x16xi32>,
        %swap3A_821 = vector.shape_cast %swap3A_820 : vector<1x16xi32> to vector<16xi32>
        %swap3A_822 = vector.shape_cast %shift_right_logical3A_816 : vector<16xi32> to vector<1x16xi32>
        tpu.vector_store %arg6[%swap3A_818, %swap3A_819], %swap3A_822 {strides = array<i32>} : memref<4x128xi32, #tpu.memory_space<vmem>>, vector<1x16xi32>,
        %get3A_823 = arith.index_cast %add3A_772 : i32 to index
        %get3A_824 = arith.constant 32 : index
        %get3A_825 = tpu.vector_load %arg5[%get3A_823, %get3A_824] {strides = array<i32>} : memref<104x128xi32, #tpu.memory_space<vmem>>, vector<1x16xi32>,
        %get3A_826 = vector.shape_cast %get3A_825 : vector<1x16xi32> to vector<16xi32>
        %shift_right_logical3A_827 = arith.constant 2 : i32
        %shift_right_logical3A_828 = vector.broadcast %shift_right_logical3A_827 : i32 to vector<16xi32>
        %shift_right_logical3A_829 = arith.shrui %get3A_826, %shift_right_logical3A_828 : vector<16xi32>
        %swap3A_830 = arith.constant 3 : i32
        %swap3A_831 = arith.index_cast %swap3A_830 : i32 to index
        %swap3A_832 = arith.constant 32 : index
        %swap3A_833 = tpu.vector_load %arg6[%swap3A_831, %swap3A_832] {strides = array<i32>} : memref<4x128xi32, #tpu.memory_space<vmem>>, vector<1x16xi32>,
        %swap3A_834 = vector.shape_cast %swap3A_833 : vector<1x16xi32> to vector<16xi32>
        %swap3A_835 = vector.shape_cast %shift_right_logical3A_829 : vector<16xi32> to vector<1x16xi32>
        tpu.vector_store %arg6[%swap3A_831, %swap3A_832], %swap3A_835 {strides = array<i32>} : memref<4x128xi32, #tpu.memory_space<vmem>>, vector<1x16xi32>,
        %get3A_836 = arith.index_cast %add3A_772 : i32 to index
        %get3A_837 = arith.constant 48 : index
        %get3A_838 = tpu.vector_load %arg5[%get3A_836, %get3A_837] {strides = array<i32>} : memref<104x128xi32, #tpu.memory_space<vmem>>, vector<1x16xi32>,
        %get3A_839 = vector.shape_cast %get3A_838 : vector<1x16xi32> to vector<16xi32>
        %shift_right_logical3A_840 = arith.constant 2 : i32
        %shift_right_logical3A_841 = vector.broadcast %shift_right_logical3A_840 : i32 to vector<16xi32>
        %shift_right_logical3A_842 = arith.shrui %get3A_839, %shift_right_logical3A_841 : vector<16xi32>
        %swap3A_843 = arith.constant 3 : i32
        %swap3A_844 = arith.index_cast %swap3A_843 : i32 to index
        %swap3A_845 = arith.constant 48 : index
        %swap3A_846 = tpu.vector_load %arg6[%swap3A_844, %swap3A_845] {strides = array<i32>} : memref<4x128xi32, #tpu.memory_space<vmem>>, vector<1x16xi32>,
        %swap3A_847 = vector.shape_cast %swap3A_846 : vector<1x16xi32> to vector<16xi32>
        %swap3A_848 = vector.shape_cast %shift_right_logical3A_842 : vector<16xi32> to vector<1x16xi32>
        tpu.vector_store %arg6[%swap3A_844, %swap3A_845], %swap3A_848 {strides = array<i32>} : memref<4x128xi32, #tpu.memory_space<vmem>>, vector<1x16xi32>,
        %get3A_849 = arith.index_cast %add3A_772 : i32 to index
        %get3A_850 = arith.constant 64 : index
        %get3A_851 = tpu.vector_load %arg5[%get3A_849, %get3A_850] {strides = array<i32>} : memref<104x128xi32, #tpu.memory_space<vmem>>, vector<1x16xi32>,
        %get3A_852 = vector.shape_cast %get3A_851 : vector<1x16xi32> to vector<16xi32>
        %shift_right_logical3A_853 = arith.constant 2 : i32
        %shift_right_logical3A_854 = vector.broadcast %shift_right_logical3A_853 : i32 to vector<16xi32>
        %shift_right_logical3A_855 = arith.shrui %get3A_852, %shift_right_logical3A_854 : vector<16xi32>
        %swap3A_856 = arith.constant 3 : i32
        %swap3A_857 = arith.index_cast %swap3A_856 : i32 to index
        %swap3A_858 = arith.constant 64 : index
        %swap3A_859 = tpu.vector_load %arg6[%swap3A_857, %swap3A_858] {strides = array<i32>} : memref<4x128xi32, #tpu.memory_space<vmem>>, vector<1x16xi32>,
        %swap3A_860 = vector.shape_cast %swap3A_859 : vector<1x16xi32> to vector<16xi32>
        %swap3A_861 = vector.shape_cast %shift_right_logical3A_855 : vector<16xi32> to vector<1x16xi32>
        tpu.vector_store %arg6[%swap3A_857, %swap3A_858], %swap3A_861 {strides = array<i32>} : memref<4x128xi32, #tpu.memory_space<vmem>>, vector<1x16xi32>,
        %get3A_862 = arith.index_cast %add3A_772 : i32 to index
        %get3A_863 = arith.constant 80 : index
        %get3A_864 = tpu.vector_load %arg5[%get3A_862, %get3A_863] {strides = array<i32>} : memref<104x128xi32, #tpu.memory_space<vmem>>, vector<1x16xi32>,
        %get3A_865 = vector.shape_cast %get3A_864 : vector<1x16xi32> to vector<16xi32>
        %shift_right_logical3A_866 = arith.constant 2 : i32
        %shift_right_logical3A_867 = vector.broadcast %shift_right_logical3A_866 : i32 to vector<16xi32>
        %shift_right_logical3A_868 = arith.shrui %get3A_865, %shift_right_logical3A_867 : vector<16xi32>
        %swap3A_869 = arith.constant 3 : i32
        %swap3A_870 = arith.index_cast %swap3A_869 : i32 to index
        %swap3A_871 = arith.constant 80 : index
        %swap3A_872 = tpu.vector_load %arg6[%swap3A_870, %swap3A_871] {strides = array<i32>} : memref<4x128xi32, #tpu.memory_space<vmem>>, vector<1x16xi32>,
        %swap3A_873 = vector.shape_cast %swap3A_872 : vector<1x16xi32> to vector<16xi32>
        %swap3A_874 = vector.shape_cast %shift_right_logical3A_868 : vector<16xi32> to vector<1x16xi32>
        tpu.vector_store %arg6[%swap3A_870, %swap3A_871], %swap3A_874 {strides = array<i32>} : memref<4x128xi32, #tpu.memory_space<vmem>>, vector<1x16xi32>,
        %get3A_875 = arith.index_cast %add3A_772 : i32 to index
        %get3A_876 = arith.constant 96 : index
        %get3A_877 = tpu.vector_load %arg5[%get3A_875, %get3A_876] {strides = array<i32>} : memref<104x128xi32, #tpu.memory_space<vmem>>, vector<1x16xi32>,
        %get3A_878 = vector.shape_cast %get3A_877 : vector<1x16xi32> to vector<16xi32>
        %shift_right_logical3A_879 = arith.constant 2 : i32
        %shift_right_logical3A_880 = vector.broadcast %shift_right_logical3A_879 : i32 to vector<16xi32>
        %shift_right_logical3A_881 = arith.shrui %get3A_878, %shift_right_logical3A_880 : vector<16xi32>
        %swap3A_882 = arith.constant 3 : i32
        %swap3A_883 = arith.index_cast %swap3A_882 : i32 to index
        %swap3A_884 = arith.constant 96 : index
        %swap3A_885 = tpu.vector_load %arg6[%swap3A_883, %swap3A_884] {strides = array<i32>} : memref<4x128xi32, #tpu.memory_space<vmem>>, vector<1x16xi32>,
        %swap3A_886 = vector.shape_cast %swap3A_885 : vector<1x16xi32> to vector<16xi32>
        %swap3A_887 = vector.shape_cast %shift_right_logical3A_881 : vector<16xi32> to vector<1x16xi32>
        tpu.vector_store %arg6[%swap3A_883, %swap3A_884], %swap3A_887 {strides = array<i32>} : memref<4x128xi32, #tpu.memory_space<vmem>>, vector<1x16xi32>,
        %get3A_888 = arith.index_cast %add3A_772 : i32 to index
        %get3A_889 = arith.constant 112 : index
        %get3A_890 = tpu.vector_load %arg5[%get3A_888, %get3A_889] {strides = array<i32>} : memref<104x128xi32, #tpu.memory_space<vmem>>, vector<1x16xi32>,
        %get3A_891 = vector.shape_cast %get3A_890 : vector<1x16xi32> to vector<16xi32>
        %shift_right_logical3A_892 = arith.constant 2 : i32
        %shift_right_logical3A_893 = vector.broadcast %shift_right_logical3A_892 : i32 to vector<16xi32>
        %shift_right_logical3A_894 = arith.shrui %get3A_891, %shift_right_logical3A_893 : vector<16xi32>
        %swap3A_895 = arith.constant 3 : i32
        %swap3A_896 = arith.index_cast %swap3A_895 : i32 to index
        %swap3A_897 = arith.constant 112 : index
        %swap3A_898 = tpu.vector_load %arg6[%swap3A_896, %swap3A_897] {strides = array<i32>} : memref<4x128xi32, #tpu.memory_space<vmem>>, vector<1x16xi32>,
        %swap3A_899 = vector.shape_cast %swap3A_898 : vector<1x16xi32> to vector<16xi32>
        %swap3A_900 = vector.shape_cast %shift_right_logical3A_894 : vector<16xi32> to vector<1x16xi32>
        tpu.vector_store %arg6[%swap3A_896, %swap3A_897], %swap3A_900 {strides = array<i32>} : memref<4x128xi32, #tpu.memory_space<vmem>>, vector<1x16xi32>,
        %dma_start3A_901 = arith.constant 3 : i32
        %dma_start3A_902 = arith.constant 3 : i32
        %dma_start3A_903 = arith.constant 3 : i32
        %dma_start3A_904 = arith.constant 0 : i32
        %dma_start3A_905 = arith.constant 0 : i32
        %dma_start3A_906 = tpu.memref_slice %arg7[%dma_start3A_902, %dma_start3A_904, %dma_start3A_905] : memref<4x128x128xf32, #tpu.memory_space<vmem>> -> memref<1x128x128xf32, #tpu.memory_space<vmem>>
        %dma_start3A_907 = tpu.memref_squeeze %dma_start3A_906 : memref<1x128x128xf32, #tpu.memory_space<vmem>> -> memref<128x128xf32, #tpu.memory_space<vmem>>
        %dma_start3A_908 = arith.constant 0 : i32
        %dma_start3A_909 = tpu.memref_slice %arg6[%dma_start3A_901, %dma_start3A_908] : memref<4x128xi32, #tpu.memory_space<vmem>> -> memref<1x128xi32, #tpu.memory_space<vmem>>
        %dma_start3A_910 = tpu.memref_squeeze %dma_start3A_909 : memref<1x128xi32, #tpu.memory_space<vmem>> -> memref<128xi32, #tpu.memory_space<vmem>>
        %dma_start3A_911 = arith.constant 0 : i32
        %dma_start3A_912 = arith.constant 0 : i32
        %dma_start3A_913 = tpu.memref_slice %arg3[%dma_start3A_911, %dma_start3A_912] : memref<250000x128xf32, #tpu.memory_space<hbm>> -> memref<250000x128xf32, #tpu.memory_space<hbm>>
        %dma_start3A_914 = tpu.memref_slice %arg8[%dma_start3A_903] : memref<4x!tpu.dma_semaphore, #tpu.memory_space<semaphore_mem>> -> memref<1x!tpu.dma_semaphore, #tpu.memory_space<semaphore_mem>>
        %dma_start3A_915 = tpu.memref_squeeze %dma_start3A_914 : memref<1x!tpu.dma_semaphore, #tpu.memory_space<semaphore_mem>> -> memref<!tpu.dma_semaphore, #tpu.memory_space<semaphore_mem>>
        tpu.enqueue_indirect_dma source(%dma_start3A_913 : memref<250000x128xf32, #tpu.memory_space<hbm>>) target(%dma_start3A_907 : memref<128x128xf32, #tpu.memory_space<vmem>>) offsets(%dma_start3A_910 : memref<128xi32, #tpu.memory_space<vmem>>) semaphore(%dma_start3A_915 : memref<!tpu.dma_semaphore, #tpu.memory_space<semaphore_mem>>)
      } else {
      }
    }
    %scan3A_512 = arith.constant 26 : i32
    %add3A_513 = arith.constant 12800 : i32
    %add3A_514 = arith.addi %mul3A_2, %add3A_513 : i32
    %dma_wait3A = arith.constant 0 : i32
    %dma_wait3A_515 = arith.constant 0 : i32
    %dma_wait3A_516 = arith.constant 0 : i32
    %dma_wait3A_517 = arith.constant 0 : i32
    %dma_wait3A_518 = tpu.memref_slice %arg7[%dma_wait3A, %dma_wait3A_516, %dma_wait3A_517] : memref<4x128x128xf32, #tpu.memory_space<vmem>> -> memref<1x128x128xf32, #tpu.memory_space<vmem>>
    %dma_wait3A_519 = tpu.memref_squeeze %dma_wait3A_518 : memref<1x128x128xf32, #tpu.memory_space<vmem>> -> memref<128x128xf32, #tpu.memory_space<vmem>>
    %dma_wait3A_520 = arith.constant 0 : i32
    %dma_wait3A_521 = tpu.memref_slice %arg4[%add3A_514, %dma_wait3A_520] : memref<425984x128xf32, #tpu.memory_space<hbm>> -> memref<128x128xf32, #tpu.memory_space<hbm>>
    %dma_wait3A_522 = tpu.memref_slice %arg9[%dma_wait3A_515] : memref<4x!tpu.dma_semaphore, #tpu.memory_space<semaphore_mem>> -> memref<1x!tpu.dma_semaphore, #tpu.memory_space<semaphore_mem>>
    %dma_wait3A_523 = tpu.memref_squeeze %dma_wait3A_522 : memref<1x!tpu.dma_semaphore, #tpu.memory_space<semaphore_mem>> -> memref<!tpu.dma_semaphore, #tpu.memory_space<semaphore_mem>>
    %dma_wait3A_524 = arith.constant 0 : i32
    %dma_wait3A_525 = tpu.memref_slice %arg4[%add3A_514, %dma_wait3A_524] : memref<425984x128xf32, #tpu.memory_space<hbm>> -> memref<128x128xf32, #tpu.memory_space<hbm>>
    %dma_wait3A_526 = arith.constant 0 : i32
    %dma_wait3A_527 = arith.constant 0 : i32
    %dma_wait3A_528 = tpu.memref_slice %arg7[%dma_wait3A, %dma_wait3A_526, %dma_wait3A_527] : memref<4x128x128xf32, #tpu.memory_space<vmem>> -> memref<1x128x128xf32, #tpu.memory_space<vmem>>
    %dma_wait3A_529 = tpu.memref_squeeze %dma_wait3A_528 : memref<1x128x128xf32, #tpu.memory_space<vmem>> -> memref<128x128xf32, #tpu.memory_space<vmem>>
    tpu.wait_dma2 semaphore(%dma_wait3A_523 : memref<!tpu.dma_semaphore, #tpu.memory_space<semaphore_mem>>) src(%dma_wait3A_529 : memref<128x128xf32, #tpu.memory_space<vmem>>) dst(%dma_wait3A_525 : memref<128x128xf32, #tpu.memory_space<hbm>>)
    %add3A_530 = arith.constant 12928 : i32
    %add3A_531 = arith.addi %mul3A_2, %add3A_530 : i32
    %dma_wait3A_532 = arith.constant 1 : i32
    %dma_wait3A_533 = arith.constant 1 : i32
    %dma_wait3A_534 = arith.constant 0 : i32
    %dma_wait3A_535 = arith.constant 0 : i32
    %dma_wait3A_536 = tpu.memref_slice %arg7[%dma_wait3A_532, %dma_wait3A_534, %dma_wait3A_535] : memref<4x128x128xf32, #tpu.memory_space<vmem>> -> memref<1x128x128xf32, #tpu.memory_space<vmem>>
    %dma_wait3A_537 = tpu.memref_squeeze %dma_wait3A_536 : memref<1x128x128xf32, #tpu.memory_space<vmem>> -> memref<128x128xf32, #tpu.memory_space<vmem>>
    %dma_wait3A_538 = arith.constant 0 : i32
    %dma_wait3A_539 = tpu.memref_slice %arg4[%add3A_531, %dma_wait3A_538] : memref<425984x128xf32, #tpu.memory_space<hbm>> -> memref<128x128xf32, #tpu.memory_space<hbm>>
    %dma_wait3A_540 = tpu.memref_slice %arg9[%dma_wait3A_533] : memref<4x!tpu.dma_semaphore, #tpu.memory_space<semaphore_mem>> -> memref<1x!tpu.dma_semaphore, #tpu.memory_space<semaphore_mem>>
    %dma_wait3A_541 = tpu.memref_squeeze %dma_wait3A_540 : memref<1x!tpu.dma_semaphore, #tpu.memory_space<semaphore_mem>> -> memref<!tpu.dma_semaphore, #tpu.memory_space<semaphore_mem>>
    %dma_wait3A_542 = arith.constant 0 : i32
    %dma_wait3A_543 = tpu.memref_slice %arg4[%add3A_531, %dma_wait3A_542] : memref<425984x128xf32, #tpu.memory_space<hbm>> -> memref<128x128xf32, #tpu.memory_space<hbm>>
    %dma_wait3A_544 = arith.constant 0 : i32
    %dma_wait3A_545 = arith.constant 0 : i32
    %dma_wait3A_546 = tpu.memref_slice %arg7[%dma_wait3A_532, %dma_wait3A_544, %dma_wait3A_545] : memref<4x128x128xf32, #tpu.memory_space<vmem>> -> memref<1x128x128xf32, #tpu.memory_space<vmem>>
    %dma_wait3A_547 = tpu.memref_squeeze %dma_wait3A_546 : memref<1x128x128xf32, #tpu.memory_space<vmem>> -> memref<128x128xf32, #tpu.memory_space<vmem>>
    tpu.wait_dma2 semaphore(%dma_wait3A_541 : memref<!tpu.dma_semaphore, #tpu.memory_space<semaphore_mem>>) src(%dma_wait3A_547 : memref<128x128xf32, #tpu.memory_space<vmem>>) dst(%dma_wait3A_543 : memref<128x128xf32, #tpu.memory_space<hbm>>)
    %add3A_548 = arith.constant 13056 : i32
    %add3A_549 = arith.addi %mul3A_2, %add3A_548 : i32
    %dma_wait3A_550 = arith.constant 2 : i32
    %dma_wait3A_551 = arith.constant 2 : i32
    %dma_wait3A_552 = arith.constant 0 : i32
    %dma_wait3A_553 = arith.constant 0 : i32
    %dma_wait3A_554 = tpu.memref_slice %arg7[%dma_wait3A_550, %dma_wait3A_552, %dma_wait3A_553] : memref<4x128x128xf32, #tpu.memory_space<vmem>> -> memref<1x128x128xf32, #tpu.memory_space<vmem>>
    %dma_wait3A_555 = tpu.memref_squeeze %dma_wait3A_554 : memref<1x128x128xf32, #tpu.memory_space<vmem>> -> memref<128x128xf32, #tpu.memory_space<vmem>>
    %dma_wait3A_556 = arith.constant 0 : i32
    %dma_wait3A_557 = tpu.memref_slice %arg4[%add3A_549, %dma_wait3A_556] : memref<425984x128xf32, #tpu.memory_space<hbm>> -> memref<128x128xf32, #tpu.memory_space<hbm>>
    %dma_wait3A_558 = tpu.memref_slice %arg9[%dma_wait3A_551] : memref<4x!tpu.dma_semaphore, #tpu.memory_space<semaphore_mem>> -> memref<1x!tpu.dma_semaphore, #tpu.memory_space<semaphore_mem>>
    %dma_wait3A_559 = tpu.memref_squeeze %dma_wait3A_558 : memref<1x!tpu.dma_semaphore, #tpu.memory_space<semaphore_mem>> -> memref<!tpu.dma_semaphore, #tpu.memory_space<semaphore_mem>>
    %dma_wait3A_560 = arith.constant 0 : i32
    %dma_wait3A_561 = tpu.memref_slice %arg4[%add3A_549, %dma_wait3A_560] : memref<425984x128xf32, #tpu.memory_space<hbm>> -> memref<128x128xf32, #tpu.memory_space<hbm>>
    %dma_wait3A_562 = arith.constant 0 : i32
    %dma_wait3A_563 = arith.constant 0 : i32
    %dma_wait3A_564 = tpu.memref_slice %arg7[%dma_wait3A_550, %dma_wait3A_562, %dma_wait3A_563] : memref<4x128x128xf32, #tpu.memory_space<vmem>> -> memref<1x128x128xf32, #tpu.memory_space<vmem>>
    %dma_wait3A_565 = tpu.memref_squeeze %dma_wait3A_564 : memref<1x128x128xf32, #tpu.memory_space<vmem>> -> memref<128x128xf32, #tpu.memory_space<vmem>>
    tpu.wait_dma2 semaphore(%dma_wait3A_559 : memref<!tpu.dma_semaphore, #tpu.memory_space<semaphore_mem>>) src(%dma_wait3A_565 : memref<128x128xf32, #tpu.memory_space<vmem>>) dst(%dma_wait3A_561 : memref<128x128xf32, #tpu.memory_space<hbm>>)
    %add3A_566 = arith.constant 13184 : i32
    %add3A_567 = arith.addi %mul3A_2, %add3A_566 : i32
    %dma_wait3A_568 = arith.constant 3 : i32
    %dma_wait3A_569 = arith.constant 3 : i32
    %dma_wait3A_570 = arith.constant 0 : i32
    %dma_wait3A_571 = arith.constant 0 : i32
    %dma_wait3A_572 = tpu.memref_slice %arg7[%dma_wait3A_568, %dma_wait3A_570, %dma_wait3A_571] : memref<4x128x128xf32, #tpu.memory_space<vmem>> -> memref<1x128x128xf32, #tpu.memory_space<vmem>>
    %dma_wait3A_573 = tpu.memref_squeeze %dma_wait3A_572 : memref<1x128x128xf32, #tpu.memory_space<vmem>> -> memref<128x128xf32, #tpu.memory_space<vmem>>
    %dma_wait3A_574 = arith.constant 0 : i32
    %dma_wait3A_575 = tpu.memref_slice %arg4[%add3A_567, %dma_wait3A_574] : memref<425984x128xf32, #tpu.memory_space<hbm>> -> memref<128x128xf32, #tpu.memory_space<hbm>>
    %dma_wait3A_576 = tpu.memref_slice %arg9[%dma_wait3A_569] : memref<4x!tpu.dma_semaphore, #tpu.memory_space<semaphore_mem>> -> memref<1x!tpu.dma_semaphore, #tpu.memory_space<semaphore_mem>>
    %dma_wait3A_577 = tpu.memref_squeeze %dma_wait3A_576 : memref<1x!tpu.dma_semaphore, #tpu.memory_space<semaphore_mem>> -> memref<!tpu.dma_semaphore, #tpu.memory_space<semaphore_mem>>
    %dma_wait3A_578 = arith.constant 0 : i32
    %dma_wait3A_579 = tpu.memref_slice %arg4[%add3A_567, %dma_wait3A_578] : memref<425984x128xf32, #tpu.memory_space<hbm>> -> memref<128x128xf32, #tpu.memory_space<hbm>>
    %dma_wait3A_580 = arith.constant 0 : i32
    %dma_wait3A_581 = arith.constant 0 : i32
    %dma_wait3A_582 = tpu.memref_slice %arg7[%dma_wait3A_568, %dma_wait3A_580, %dma_wait3A_581] : memref<4x128x128xf32, #tpu.memory_space<vmem>> -> memref<1x128x128xf32, #tpu.memory_space<vmem>>
    %dma_wait3A_583 = tpu.memref_squeeze %dma_wait3A_582 : memref<1x128x128xf32, #tpu.memory_space<vmem>> -> memref<128x128xf32, #tpu.memory_space<vmem>>
    tpu.wait_dma2 semaphore(%dma_wait3A_577 : memref<!tpu.dma_semaphore, #tpu.memory_space<semaphore_mem>>) src(%dma_wait3A_583 : memref<128x128xf32, #tpu.memory_space<vmem>>) dst(%dma_wait3A_579 : memref<128x128xf32, #tpu.memory_space<hbm>>)
    return
  }
}

</mosaic_0001>

<sc_bundles>
// kernel: gather_offload_async_start
scs
__scs_entry_jumppad:
0x0: {  	(pc) =	sbr.rel $0x88, $3  }
0x1: {  	(tag) =	ssettag $0x0;
	lr =	simm.s32 $0x1  }
0x2: {  	[smem:$0x3F9F] =	sst lr;
	_ =	strace $0xD0000000  }
0x3: {  	_ = 	snop  }
0x4: {  	_ = 	snop  }
0x5: {  	_ = 	snop  }
0x6: {  	_ = 	snop  }
0x7: {  	_ = 	snop  }
__scs_overlays_trampoline_lowered:
0x8: {  	[smem:$0x3FAE] =	sst s0  }
0x9: {  	[smem:$0x3FAF] =	sst s1  }
0xa: {  	[smem:$0x3FB0] =	sst s2  }
0xb: {  	[smem:$0x3FB1] =	sst s3  }
0xc: {  	[smem:$0x3FB2] =	sst s4  }
0xd: {  	[smem:$0x3FB3] =	sst s5  }
0xe: {  	[smem:$0x3FB4] =	sst s6  }
0xf: {  	[smem:$0x3FB5] =	sst s7  }
0x10: {  	[smem:$0x3FB6] =	sst s8  }
0x11: {  	[smem:$0x3FB7] =	sst s9;
	s0 =	simm.s32 @!p0 $0x0  }
0x12: {  	s1 =	sld [smem:$0x3F9D];
	s0 =	simm.s32 @p0 $0x1  }
0x13: {  	[smem:$0x3FB8] =	sst s0;
	s0 =	simm.s32 @!p1 $0x0  }
0x14: {  	s2 =	sld [smem:$0x3F9C];
	s0 =	simm.s32 @p1 $0x1  }
0x15: {  	[smem:$0x3FB9] =	sst s0;
	s0 =	simm.s32 @!p2 $0x0  }
0x16: {  	s3 =	sld [smem:$0x3FDB];
	s0 =	simm.s32 @p2 $0x1  }
0x17: {  	s4 =	simm.s32 $0x1BF5;
	[smem:$0x3FBB] =	sst s0  }
0x18: {  	s0 =	sld [smem:$0x3F9E];
	_ =	swait.ge [sflag:s4], $0x0  }
0x19: {  	s7 =	sld [smem:$0x3F9F]  }
0x1a: {  	s8 =	sadd.s32 $0xFFFFE003, lr  }
0x1b: {  	s9 =	sadd.s32 $0xFFFFFEF7, lr;
	s5 =	simm.s32 $0xFFFFFFFF;
	p2 =	slt.u32 s8, $0xFFFFF086  }
0x1c: {  	p1 =	slt.u32 s9, $0xF7A;
	s5 =	simm.s32 @!p2 $0x0  }
0x1d: {  	s5 =	simm.s32 @p1 $0x1;
	p0 =	seq.s32 s7, s2  }
0x1e: {  	s7 =	smul.u32 @!p0 $0xF7A, s2;
	p2 =	seq.s32 @!p0 s5, $0x0  }
0x1f: {  	s9 =	smul.u32 $0xF7A, s1;
	s8 =	simm.s32 @!p0 $0x1BF5;
	p2 =	por !p2, p0  }
0x20: {  	[sflag:s8] =	ssyncset.s32 @!p0 $0xFFFFF086;
	s6 =	sadd.s32 @!p0 s3, s7;
	s7 =	simm.s32 @!p0 $0x108  }
0x21: {  	s3 =	sadd.s32 s3, s9;
	s6 =	sadd.s32 @!p0 $0x88, s6;
	s7 =	simm.s32 @p2 $0x1082  }
0x22: {  	[simem:s7], [sflag:s8] =	dma.local @!p0 [hbm:s6], $0xF7A  }
0x23: {  	s9 =	sor.u32 $0xD0000000, s2;
	s6 =	simm.s32 $0x108;
	_ =	swait.ge @!p0 [sflag:s8], $0x0  }
0x24: {  	s3 =	sadd.s32 $0x88, s3;
	s6 =	simm.s32 @!p1 $0x1082;
	[sflag:s4] =	ssyncset.s32 $0xFFFFF086  }
0x25: {  	[simem:s6], [sflag:s4] =	dma.local [hbm:s3], $0xF7A  }
0x26: {  	[smem:$0x3F9F] =	sst s1;
	(tag) =	ssettag s2;
	_ =	strace s9  }
0x27: {  	s1 =	sld [smem:$0x3FAF]  }
0x28: {  	s2 =	sld [smem:$0x3FB0]  }
0x29: {  	s4 =	sld [smem:$0x3FB2]  }
0x2a: {  	p0 =	seq.s32 s5, $0x0;
	s5 =	sld [smem:$0x3FB3]  }
0x2b: {  	s6 =	sld [smem:$0x3FB4]  }
0x2c: {  	s7 =	sld [smem:$0x3FB5]  }
0x2d: {  	s3 =	simm.s32 $0x108;
	s8 =	sld [smem:$0x3FB6]  }
0x2e: {  	s3 =	simm.s32 @!p0 $0x1082;
	s9 =	sld [smem:$0x3FB7]  }
0x2f: {  	lr =	sadd.s32 s0, s3;
	s0 =	sld [smem:$0x3FAE]  }
0x30: {  	s3 =	sld [smem:$0x3FB1]  }
0x31: {  	[smem:$0x3FBA] =	sst s10  }
0x32: {  	s10 =	sld [smem:$0x3FB8];
	_ =	sdelay $0x3  }
0x33: {  	p0 =	seq.s32 s10, $0x1;
	s10 =	sld [smem:$0x3FBA];
	_ =	sdelay $0x3  }
0x34: {  	[smem:$0x3FBA] =	sst s10  }
0x35: {  	s10 =	sld [smem:$0x3FB9];
	_ =	sdelay $0x3  }
0x36: {  	p1 =	seq.s32 s10, $0x1;
	s10 =	sld [smem:$0x3FBA];
	_ =	sdelay $0x3  }
0x37: {  	[smem:$0x3FBA] =	sst s10  }
0x38: {  	s10 =	sld [smem:$0x3FBB]  }
0x39: {  	_ = 	snop;
	(pc) =	sbr.ind lr, $3  }
0x3a: {  	_ = 	snop  }
0x3b: {  	_ = 	snop  }
0x3c: {  	p2 =	seq.s32 s10, $0x1;
	s10 =	sld [smem:$0x3FBA]  }
0x3d: {  	_ =	shalt  }
0x3e: {  	_ =	shalt  }
0x3f: {  	_ =	shalt  }
0x40: {  	_ =	shalt  }
0x41: {  	_ =	shalt  }
0x42: {  	_ =	shalt  }
0x43: {  	_ =	shalt  }
0x44: {  	_ =	shalt  }
0x45: {  	_ =	shalt  }
0x46: {  	_ =	shalt  }
0x47: {  	_ =	shalt  }
0x48: {  	_ =	shalt  }
0x49: {  	_ =	shalt  }
0x4a: {  	_ =	shalt  }
0x4b: {  	_ =	shalt  }
0x4c: {  	_ =	shalt  }
0x4d: {  	_ =	shalt  }
0x4e: {  	_ =	shalt  }
0x4f: {  	_ =	shalt  }
0x50: {  	_ =	shalt  }
0x51: {  	_ =	shalt  }
0x52: {  	_ =	shalt  }
0x53: {  	_ =	shalt  }
0x54: {  	_ =	shalt  }
0x55: {  	_ =	shalt  }
0x56: {  	_ =	shalt  }
0x57: {  	_ =	shalt  }
0x58: {  	_ =	shalt  }
0x59: {  	_ =	shalt  }
0x5a: {  	_ =	shalt  }
0x5b: {  	_ =	shalt  }
0x5c: {  	_ =	shalt  }
0x5d: {  	_ =	shalt  }
0x5e: {  	_ =	shalt  }
0x5f: {  	_ =	shalt  }
0x60: {  	_ =	shalt  }
0x61: {  	_ =	shalt  }
0x62: {  	_ =	shalt  }
0x63: {  	_ =	shalt  }
0x64: {  	_ =	shalt  }
0x65: {  	_ =	shalt  }
0x66: {  	_ =	shalt  }
0x67: {  	_ =	shalt  }
0x68: {  	_ =	shalt  }
0x69: {  	_ =	shalt  }
0x6a: {  	_ =	shalt  }
0x6b: {  	_ =	shalt  }
0x6c: {  	_ =	shalt  }
0x6d: {  	_ =	shalt  }
0x6e: {  	_ =	shalt  }
0x6f: {  	_ =	shalt  }
0x70: {  	_ =	shalt  }
0x71: {  	_ =	shalt  }
0x72: {  	_ =	shalt  }
0x73: {  	_ =	shalt  }
0x74: {  	_ =	shalt  }
0x75: {  	_ =	shalt  }
0x76: {  	_ =	shalt  }
0x77: {  	_ =	shalt  }
0x78: {  	_ =	shalt  }
0x79: {  	_ =	shalt  }
0x7a: {  	_ =	shalt  }
0x7b: {  	_ =	shalt  }
0x7c: {  	_ =	shalt  }
0x7d: {  	_ =	shalt  }
0x7e: {  	_ =	shalt  }
0x7f: {  	_ =	shalt  }
0x80: {  	_ =	shalt  }
0x81: {  	_ =	shalt  }
0x82: {  	_ =	shalt  }
0x83: {  	_ =	shalt  }
0x84: {  	_ =	shalt  }
0x85: {  	_ =	shalt  }
0x86: {  	_ =	shalt  }
0x87: {  	_ =	shalt  }
.Lfunc_end0:
.L_simem_size_0:
called_computation.1_lowered:
.L_overlay_start_0:
0x88: {  	s2 =	sld [smem:$0x3FD9]  }
0x89: {  	s3 =	sld [smem:$0x3FFE];
	_ =	sdelay $0x1  }
0x8a: {  	s1 =	srdreg.scid  }
0x8b: {  	s0 =	sand.u32 $0x1, s1  }
0x8c: {  	s17 =	sshll.u32 s0, $0xA;
	s2 =	sadd.s32 s3, s2  }
0x8d: {  	s2 =	sadd.s32 s2, s17  }
0x8e: {  	[smem:$0x3FC6] =	sst s2  }
0x8f: {  	_ = 	snop  }
0x90: {  	s2 =	sld [smem:$0x3FD0];
	(tm) =	ssettm $0x1  }
0x91: {  	s18 =	sld [smem:$0x3FFB];
	_ =	sdelay $0x3  }
0x92: {  	_ =	strace s18  }
0x93: {  	s3 =	sld [smem:$0x3FFC];
	_ =	sdelay $0x3  }
0x94: {  	_ =	strace s3  }
0x95: {  	s3 =	sld [smem:$0x3FFD];
	_ =	sdelay $0x3  }
0x96: {  	_ =	strace s3  }
0x97: {  	_ =	strace $0x8FFFFFFF  }
0x98: {  	s19 =	sld [smem:$0x3FDB];
	_ =	sdelay $0x1  }
0x99: {  	s4 =	simm.s32 $_scs_section_size  }
0x9a: {  	s5 =	simm.s32 $_size__tile_overlayer_lowered;
	s6 =	simm.s32 $_tile_overlayer_lowered  }
0x9b: {  	s22 =	simm.s32 $0x1BFF;
	s21 =	sshll.u32 s6, $0x1;
	s3 =	sadd.s32 s4, s19  }
0x9c: {  	s7 =	simm.s32 $0x0;
	s20 =	sshll.u32 s5, $0x1;
	s5 =	sadd.s32 s21, s3  }
0x9d: {  	[timem:s7], [sflag:s22] =	dma.local [hbm:s5], s20  }
0x9e: {  	_ =	swait.ge [sflag:s22], s20  }
0x9f: {  	s4 =	ssub.s32 $0x0, s20;
	[sflag:s22] =	ssyncset.done $0x0  }
0xa0: {  	[sflag:s22] =	ssyncadd.s32 s4;
	_ =	sdelay $0x1  }
0xa1: {  	s23 =	simm.s32 $0x1B8B  }
0xa2: {  	_ =	swait.ge [sflag:s23], $0x1  }
0xa3: {  	[sflag:s23] =	ssyncset.done $0x0  }
0xa4: {  	s25 =	simm.s32 $0x1B8E;
	s24 =	sld [smem:$0x3FFE];
	[sflag:s23] =	ssyncadd.s32 $0xFFFFFFFF  }
0xa5: {  	s26 =	simm.s32 $execute0_lowered;
	[smem:$0x3FD2] =	sst s25  }
0xa6: {  	s5 =	sshll.u32 s26, $0x1;
	_ =	strace $0x80000049;
	[dreg:$0x1] =	wrdreg $0xFFFFFFFF  }
0xa7: {  	s28 =	simm.s32 $_size_execute0_lowered;
	s3 =	sadd.s32 s3, s5;
	[dreg:$0x0] =	wrdreg $0x0  }
0xa8: {  	s5 =	sshll.u32 s28, $0x1;
	[dreg:$0x2] =	wrdreg s3  }
0xa9: {  	[dreg:$0x3] =	wrdreg s5  }
0xaa: {  	[dreg:$0x4] =	wrdreg $0xC0  }
0xab: {  	_ =	task [dreg:s7], $0x5FFFF  }
0xac: {  	[dreg:$0x1] =	wrdreg $0xFFFFFFFF  }
0xad: {  	[dreg:$0x0] =	wrdreg $0x60  }
0xae: {  	[dreg:$0x2] =	wrdreg s24  }
0xaf: {  	[dreg:$0x3] =	wrdreg s2  }
0xb0: {  	[dreg:$0x4] =	wrdreg $0x9  }
0xb1: {  	_ =	task.clear_ibuf [dreg:s7], $0x5FFFF;
	_ =	strace $0x90000049  }
0xb2: {  	s29 =	simm.s32 $0x9;
	_ =	strace $0x8000004B  }
0xb3: {  	_ =	swait.ge [sflag:s29], $0x1  }
0xb4: {  	[sflag:s29] =	ssyncadd.s32 $0xFFFFFFFF  }
0xb5: {  	_ =	strace $0x9000004B  }
0xb6: {  	_ =	sfence  }
0xb7: {  	s30 =	sld [smem:$0x0];
	_ =	sdelay $0x2  }
0xb8: {  	s31 =	sshll.u32 s1, $0xD;
	s1 =	sshrl.u32 s1, $0x2  }
0xb9: {  	s3 =	sand.u32 $0x4000, s31;
	s1 =	sadd.s32 s1, s30  }
0xba: {  	s0 =	sor.u32 s3, s0;
	s1 =	sshll.u32 s1, $0x11  }
0xbb: {  	s0 =	sor.u32 s1, s0  }
0xbc: {  	s0 =	sadd.s32 $0x8F2B, s0  }
0xbd: {  	[sflag:s0] =	ssyncadd.remote.s32 $0x1  }
0xbe: {  	_ =	sfence.sel $0xFFFF  }
0xbf: {  	[dreg:$0x0] =	wrdreg $0xFFFFFFFF;
	(pc) =	sbr.abs _section_cstart, $3  }
0xc0: {  	[dreg:$0x1] =	wrdreg $0xFFFFFFFF  }
0xc1: {  	_ =	task.clear_ibuf [dreg:s7], $0x2FFFF;
	_ =	strace $0x9FFFFFFF  }
0xc2: {  	(tm) =	ssettm $0x7FFFFFFF  }
0xc3: {  	_ =	shalt  }
tec
execute0_lowered:
.L_overlay_start_1:
0x0: {  	(tag) =	ssettag $0x1  }
0x1: {  	s1 =	srdreg.scid;
	s5 =	rddreg [dreg:$0x0]  }
0x2: {  	s0 =	stileid.u32;
	s2 =	rddreg [dreg:$0x1];
	s6 =	simm.s32 $0x1  }
0x3: {  	s9 =	simm.s32 $0x1;
	s10 =	simm.s32 $0x3;
	s1 =	sshll.u32 s1, $0xF  }
0x4: {  	s13 =	simm.s32 $0x0;
	s3 =	sshll.u32 s0, $0x10;
	s4 =	sand.u32 $0x8000, s1  }
0x5: {  	s12 =	simm.s32 $0x0;
	s1 =	rddreg [dreg:$0x2];
	s3 =	sor.u32 s3, s4  }
0x6: {  	_ =	strace $0x8000004A;
	s4 =	sadd.s32 $0xE200, s5;
	s8 =	ssub.s32 $0xD00000, s3  }
.Ltmp0:
0x7: {  	s5 =	sadd.s32 $0x6CE200, s5;
	s7 =	sand.u32 $0xF8000, s8;
	(pc) =	sbr.rel .LBB2_1-.Ltmp0, $4  }
0x8: {  	[sflag:s6] =	ssyncpa.u1 $0x0;
	s11 =	smov.u32 s3;
	p0 =	sne.s32 s7, $0x0  }
0x9: {  	s8 =	sshrl.u32 s8, $0x14;
	s7 =	simm.s32 $0x2;
	s9 =	simm.s32 @!p0 $0x0  }
0xa: {  	[sflag:s7] =	ssyncpa.u1 $0x0;
	p0 =	por $0x0, $0x0;
	s8 =	sadd.s32 s9, s8  }
0xb: {  	vm0 =	vmmov $0xffff;
	[sflag:s10] =	ssyncpa.u1 $0x0;
	s10 =	simm.s32 $0x0;
	s9 =	sadd.s32 $0x1, s8  }
.LBB2_4:
0xc: {  	v5 =	vshrl.u32 v1, $0x13;
	v6 =	vshll.u32 v1, $0x7  }
0xd: {  	vm1 =	veq.s32 v1, $0x80000000;
	v57 =	vand.u32 $0x7F, v5;
	v58 =	vand.u32 $0x3FFFF80, v6  }
0xe: {  	v1 =	vsel vm1, $0xFFFFFFFF, v57;
	v5 =	vsel vm1, $0xFFFFFF80, v58  }
0xf: {  	v3 =	vor.u32 v4, v3;
	v59 =	vand.u32 $0xFFFFFC00, v5;
	v60 =	vand.u32 $0xFFFFFC00, v1  }
0x10: {  	v2 =	vor.u32 v2, v3;
	v62 =	vand.u32 $0x380, v5;
	v61 =	vadd.s32 v60, v59  }
0x11: {  	v1 =	vand.u32 $0x7F, v1;
	v3 =	vor.u32 v62, v61  }
0x12: {  	v1 =	vor.u32 v1, v3  }
0x13: {  	[tilespmem:s15], [sflag:$0x1] =	stream.indirect_vreg.gather [hbm4b:s4+s10], $0x1, v0, vm0, $0x4038;
	v63 =	vld [tilespmem:$0x0]  }
0x14: {  	(ifvalue) =	ssetifvalue $0x7FFFFFFF  }
0x15: {  	[tilespmem:s16], [sflag:$0x1] =	stream.indirect_vreg.gather [hbm4b:s4+s10], $0x1, v2, vm0, $0x4038;
	v63 =	vld [tilespmem:$0x0]  }
0x16: {  	s29 =	sadd.s32 $0x10, s16;
	(ifvalue) =	ssetifvalue $0x7FFFFFFF  }
0x17: {  	[tilespmem:s29], [sflag:$0x1] =	stream.indirect_vreg.gather [hbm4b:s4+s10], $0x1, v1, vm0, $0x4038;
	v63 =	vld [tilespmem:$0x0]  }
0x18: {  	_ =	swait.ge [sflag:s6], $0x8000  }
0x19: {  	s30 =	sshrl.u32 s13, $0x3;
	[sflag:s6] =	ssyncset.done $0x0  }
0x1a: {  	s31 =	sand.u32 $0x7, s13;
	s15 =	sadd.s32 s5, s30;
	[sflag:s6] =	ssyncadd.s32 $0xFFFF8000  }
0x1b: {  	[hbm4b:s15+s31] =	stream.linear.scatter [tilespmem:s14], [sflag:$0x3], $0x8000, $0x38;
	v63 =	vld [tilespmem:$0x0]  }
.LBB2_5:
0x1c: {  	s15 =	sadd.s32 $0x100000, s11  }
0x1d: {  	p2 =	sgt.s32 s15, $0xCFFFFF  }
0x1e: {  	s15 =	smov.u32 @p2 s3;
	p2 =	sne.s32 s12, s9  }
.Ltmp1:
0x1f: {  	p1 =	slt.u32 s12, $0x2;
	(pc) =	sbr.rel @!p2 .LBB2_6-.Ltmp1, $4  }
0x20: {  	s14 =	simm.s32 @!p1 $0x3  }
0x21: {  	s16 =	sadd.s32 $0x1, s12;
	_ =	swait.ge @!p1 [sflag:s14], $0x8000  }
0x22: {  	s13 =	smov.u32 s11;
	p0 =	por !p0, !p0;
	[sflag:s14] =	ssyncset.done @!p1 $0x0  }
0x23: {  	s12 =	smov.u32 s16;
	s11 =	smov.u32 s15;
	[sflag:s14] =	ssyncadd.s32 @!p1 $0xFFFF8000  }
.LBB2_1:
0x24: {  	p1 =	sge.u32 s12, s8  }
0x25: {  	s14 =	sxor.u32 @!p1 $0xFFFFFFFF, s12  }
0x26: {  	s31 =	sadd.s32 $0xFFFFFFFF, s12;
	s15 =	sshrl.u32 @!p1 s11, $0x3;
	s14 =	sshll.u32 @!p1 s14, $0xF  }
0x27: {  	s16 =	sand.u32 @!p1 $0x7, s11;
	s15 =	sadd.s32 @!p1 s2, s15;
	s14 =	sand.u32 @!p1 $0x8000, s14  }
0x28: {  	[tilespmem:s14], [sflag:$0x2] =	stream.linear.gather @!p1 [hbm4b:s15+s16], $0x8000, $0x38;
	v63 =	vld [tilespmem:$0x0]  }
0x29: {  	p1 =	sge.u32 s31, s8  }
.Ltmp2:
0x2a: {  	_ = 	snop;
	(pc) =	sbr.rel @p1 .LBB2_5-.Ltmp2, $1  }
0x2b: {  	_ =	sdelay $0x3  }
0x2c: {  	s14 =	simm.s32 $0x1  }
0x2d: {  	_ =	swait.ge [sflag:s7], $0x8000;
	s14 =	simm.s32 @!p0 $0x0  }
0x2e: {  	[sflag:s7] =	ssyncset.done $0x0;
	s14 =	sshll.u32 s14, $0xF  }
0x2f: {  	[sflag:s7] =	ssyncadd.s32 $0xFFFF8000;
	(ifvalue) =	ssetifvalue $0x7FFFFFFF;
	v0 =	vld.msk [tilespmem:s14+$0x0 ss:$0x1], $0xffff;
	_ =	sdelay $0x4  }
0x30: {  	s15 =	sadd.s32 $0x10, s14;
	v2 =	vshrl.u32 v0, $0x13;
	v3 =	vshll.u32 v0, $0x7  }
0x31: {  	v1 =	vld.msk [tilespmem:s15+$0x0 ss:$0x1], $0xffff;
	vm1 =	veq.s32 v0, $0x80000000;
	v0 =	vand.u32 $0x7F, v2;
	v2 =	vand.u32 $0x3FFFF80, v3  }
0x32: {  	v0 =	vsel vm1, $0xFFFFFFFF, v0;
	v2 =	vsel vm1, $0xFFFFFF80, v2  }
0x33: {  	v3 =	vand.u32 $0xFFFFFC00, v2;
	v4 =	vand.u32 $0xFFFFFC00, v0  }
0x34: {  	v2 =	vand.u32 $0x380, v2;
	v3 =	vadd.s32 v4, v3  }
0x35: {  	v0 =	vand.u32 $0x7F, v0;
	v2 =	vor.u32 v2, v3  }
0x36: {  	v5 =	vshll.u32 v1, $0x7;
	v4 =	vshrl.u32 v1, $0x13;
	v0 =	vor.u32 v0, v2  }
0x37: {  	s16 =	sshll.u32 s12, $0xF;
	vm1 =	veq.s32 v1, $0x80000000;
	v1 =	vand.u32 $0x7F, v4;
	v4 =	vand.u32 $0x3FFFF80, v5  }
0x38: {  	s16 =	sand.u32 $0x8000, s16;
	s18 =	sadd.s32 $0x10, s15;
	v3 =	vsel vm1, $0xFFFFFFFF, v1;
	v4 =	vsel vm1, $0xFFFFFF80, v4  }
0x39: {  	s17 =	simm.s32 $0x20;
	s15 =	sor.u32 $0x10000, s14;
	s14 =	sor.u32 $0x10000, s16;
	v1 =	vld.msk [tilespmem:s18+$0x0 ss:$0x1], $0xffff;
	v5 =	vand.u32 $0xFFFFFC00, v4;
	v6 =	vand.u32 $0xFFFFFC00, v3  }
0x3a: {  	s16 =	sadd.s32 $0x10, s15;
	s18 =	sadd.s32 $0x10, s18;
	(ifvalue) =	ssetifvalue $0x7FFFFFFF;
	v2 =	vand.u32 $0x7F, v3;
	v4 =	vand.u32 $0x380, v4;
	v3 =	vadd.s32 v6, v5  }
.LBB2_3:
0x3b: {  	[tilespmem:s15], [sflag:$0x1] =	stream.indirect_vreg.gather [hbm4b:s4+s10], $0x1, v0, vm0, $0x4038;
	v63 =	vld [tilespmem:$0x0]  }
0x3c: {  	s17 =	sadd.s32 $0x10, s17  }
0x3d: {  	v3 =	vor.u32 v4, v3;
	p1 =	slt.u32 s17, $0x7FF0  }
.Ltmp3:
0x3e: {  	v4 =	vshrl.u32 v1, $0x13;
	v5 =	vshll.u32 v1, $0x7;
	s15 =	smov.u32 s16;
	v0 =	vor.u32 v2, v3;
	v2 =	vmovc v1;
	v1 =	vld.msk [tilespmem:s18+$0x0 ss:$0x1], $0xffff;
	(pc) =	sbr.rel @p1 .LBB2_3-.Ltmp3, $4  }
0x3f: {  	v3 =	vand.u32 $0x3FFFF80, v5;
	vm1 =	veq.s32 v2, $0x80000000;
	v2 =	vand.u32 $0x7F, v4  }
0x40: {  	v4 =	vsel vm1, $0xFFFFFFFF, v2;
	v5 =	vsel vm1, $0xFFFFFF80, v3  }
0x41: {  	v2 =	vand.u32 $0x7F, v4;
	v3 =	vand.u32 $0xFFFFFC00, v5;
	v4 =	vand.u32 $0xFFFFFC00, v4  }
0x42: {  	s16 =	sadd.s32 $0x10, s16;
	s18 =	sadd.s32 $0x10, s18;
	v3 =	vadd.s32 v4, v3;
	v4 =	vand.u32 $0x380, v5;
	(ifvalue) =	ssetifvalue $0x7FFFFFFF  }
.Ltmp4:
0x43: {  	_ = 	snop;
	(pc) =	sbr.rel .LBB2_4-.Ltmp4, $1  }
0x44: {  	_ =	sdelay $0x3  }
.LBB2_6:
0x45: {  	_ =	sfence.sel $0x180000  }
0x46: {  	s2 =	simm.s32 $0x2;
	[bflag:$0x0] =	sbarrier.arrive $0xFFFF  }
0x47: {  	s30 =	simm.s32 $0x3;
	[sflag:s2] =	ssyncpa.u1 $0x1  }
0x48: {  	s31 =	simm.s32 $0x1;
	[sflag:s30] =	ssyncpa.u1 $0x1  }
0x49: {  	[sflag:s31] =	ssyncpa.u1 $0x1  }
0x4a: {  	p0 =	sne.s32 s0, $0x0;
	_ =	strace $0x9000004A  }
0x4b: {  	s0 =	sadd.s32 @!p0 $0x100000, s1;
	[bflag:$0x2] =	sbarrier.arrive $0xFFFF  }
0x4c: {  	[sflag:s0] =	ssyncadd.tile.s32 @!p0 $0x1;
	_ =	shalt  }
.Lfunc_end2:
_tile_overlayer_lowered:
.L_overlay_start_2:
0x4d: {  	(tag) =	ssettag $0x2  }
0x4e: {  	s0 =	rddreg [dreg:$0x0];
	s2 =	stileid.u32  }
0x4f: {  	s1 =	rddreg [dreg:$0x1];
	p0 =	sne.s32 s2, $0x0  }
0x50: {  	s3 =	rddreg [dreg:$0x2];
	[bflag:$0x3] =	sbarrier.arrive $0xFFFF;
	s2 =	simm.s32 @!p0 $0x1C01  }
0x51: {  	[timem:s3], [sflag:s2] =	dma.local @!p0 [hbm:s0], s1  }
0x52: {  	s0 =	simm.s32 @!p0 $0x1  }
0x53: {  	_ =	swait.ge @!p0 [sflag:s0], s1  }
0x54: {  	s1 =	ssub.s32 @!p0 $0x0, s1;
	[sflag:s0] =	ssyncset.done @!p0 $0x0  }
0x55: {  	[sflag:s0] =	ssyncadd.s32 @!p0 s1  }
0x56: {  	[bflag:$0x3] =	sbarrier.arrive $0xFFFF  }
0x57: {  	_ =	shalt  }

// kernel: kernel.3.cloned.1.call-start
scs
__scs_entry_jumppad:
0x0: {  	(pc) =	sbr.rel $0x88, $3  }
0x1: {  	(tag) =	ssettag $0x0;
	lr =	simm.s32 $0x1  }
0x2: {  	[smem:$0x3F9F] =	sst lr;
	_ =	strace $0xD0000000  }
0x3: {  	_ = 	snop  }
0x4: {  	_ = 	snop  }
0x5: {  	_ = 	snop  }
0x6: {  	_ = 	snop  }
0x7: {  	_ = 	snop  }
__scs_overlays_trampoline_lowered:
0x8: {  	[smem:$0x3FAE] =	sst s0  }
0x9: {  	[smem:$0x3FAF] =	sst s1  }
0xa: {  	[smem:$0x3FB0] =	sst s2  }
0xb: {  	[smem:$0x3FB1] =	sst s3  }
0xc: {  	[smem:$0x3FB2] =	sst s4  }
0xd: {  	[smem:$0x3FB3] =	sst s5  }
0xe: {  	[smem:$0x3FB4] =	sst s6  }
0xf: {  	[smem:$0x3FB5] =	sst s7  }
0x10: {  	[smem:$0x3FB6] =	sst s8  }
0x11: {  	[smem:$0x3FB7] =	sst s9;
	s0 =	simm.s32 @!p0 $0x0  }
0x12: {  	s1 =	sld [smem:$0x3F9D];
	s0 =	simm.s32 @p0 $0x1  }
0x13: {  	[smem:$0x3FB8] =	sst s0;
	s0 =	simm.s32 @!p1 $0x0  }
0x14: {  	s2 =	sld [smem:$0x3F9C];
	s0 =	simm.s32 @p1 $0x1  }
0x15: {  	[smem:$0x3FB9] =	sst s0;
	s0 =	simm.s32 @!p2 $0x0  }
0x16: {  	s3 =	sld [smem:$0x3FDB];
	s0 =	simm.s32 @p2 $0x1  }
0x17: {  	s4 =	simm.s32 $0x1BF5;
	[smem:$0x3FBB] =	sst s0  }
0x18: {  	s0 =	sld [smem:$0x3F9E];
	_ =	swait.ge [sflag:s4], $0x0  }
0x19: {  	s7 =	sld [smem:$0x3F9F]  }
0x1a: {  	s8 =	sadd.s32 $0xFFFFE003, lr  }
0x1b: {  	s9 =	sadd.s32 $0xFFFFFEF7, lr;
	s5 =	simm.s32 $0xFFFFFFFF;
	p2 =	slt.u32 s8, $0xFFFFF086  }
0x1c: {  	p1 =	slt.u32 s9, $0xF7A;
	s5 =	simm.s32 @!p2 $0x0  }
0x1d: {  	s5 =	simm.s32 @p1 $0x1;
	p0 =	seq.s32 s7, s2  }
0x1e: {  	s7 =	smul.u32 @!p0 $0xF7A, s2;
	p2 =	seq.s32 @!p0 s5, $0x0  }
0x1f: {  	s9 =	smul.u32 $0xF7A, s1;
	s8 =	simm.s32 @!p0 $0x1BF5;
	p2 =	por !p2, p0  }
0x20: {  	[sflag:s8] =	ssyncset.s32 @!p0 $0xFFFFF086;
	s6 =	sadd.s32 @!p0 s3, s7;
	s7 =	simm.s32 @!p0 $0x108  }
0x21: {  	s3 =	sadd.s32 s3, s9;
	s6 =	sadd.s32 @!p0 $0x88, s6;
	s7 =	simm.s32 @p2 $0x1082  }
0x22: {  	[simem:s7], [sflag:s8] =	dma.local @!p0 [hbm:s6], $0xF7A  }
0x23: {  	s9 =	sor.u32 $0xD0000000, s2;
	s6 =	simm.s32 $0x108;
	_ =	swait.ge @!p0 [sflag:s8], $0x0  }
0x24: {  	s3 =	sadd.s32 $0x88, s3;
	s6 =	simm.s32 @!p1 $0x1082;
	[sflag:s4] =	ssyncset.s32 $0xFFFFF086  }
0x25: {  	[simem:s6], [sflag:s4] =	dma.local [hbm:s3], $0xF7A  }
0x26: {  	[smem:$0x3F9F] =	sst s1;
	(tag) =	ssettag s2;
	_ =	strace s9  }
0x27: {  	s1 =	sld [smem:$0x3FAF]  }
0x28: {  	s2 =	sld [smem:$0x3FB0]  }
0x29: {  	s4 =	sld [smem:$0x3FB2]  }
0x2a: {  	p0 =	seq.s32 s5, $0x0;
	s5 =	sld [smem:$0x3FB3]  }
0x2b: {  	s6 =	sld [smem:$0x3FB4]  }
0x2c: {  	s7 =	sld [smem:$0x3FB5]  }
0x2d: {  	s3 =	simm.s32 $0x108;
	s8 =	sld [smem:$0x3FB6]  }
0x2e: {  	s3 =	simm.s32 @!p0 $0x1082;
	s9 =	sld [smem:$0x3FB7]  }
0x2f: {  	lr =	sadd.s32 s0, s3;
	s0 =	sld [smem:$0x3FAE]  }
0x30: {  	s3 =	sld [smem:$0x3FB1]  }
0x31: {  	[smem:$0x3FBA] =	sst s10  }
0x32: {  	s10 =	sld [smem:$0x3FB8];
	_ =	sdelay $0x3  }
0x33: {  	p0 =	seq.s32 s10, $0x1;
	s10 =	sld [smem:$0x3FBA];
	_ =	sdelay $0x3  }
0x34: {  	[smem:$0x3FBA] =	sst s10  }
0x35: {  	s10 =	sld [smem:$0x3FB9];
	_ =	sdelay $0x3  }
0x36: {  	p1 =	seq.s32 s10, $0x1;
	s10 =	sld [smem:$0x3FBA];
	_ =	sdelay $0x3  }
0x37: {  	[smem:$0x3FBA] =	sst s10  }
0x38: {  	s10 =	sld [smem:$0x3FBB]  }
0x39: {  	_ = 	snop;
	(pc) =	sbr.ind lr, $3  }
0x3a: {  	_ = 	snop  }
0x3b: {  	_ = 	snop  }
0x3c: {  	p2 =	seq.s32 s10, $0x1;
	s10 =	sld [smem:$0x3FBA]  }
0x3d: {  	_ =	shalt  }
0x3e: {  	_ =	shalt  }
0x3f: {  	_ =	shalt  }
0x40: {  	_ =	shalt  }
0x41: {  	_ =	shalt  }
0x42: {  	_ =	shalt  }
0x43: {  	_ =	shalt  }
0x44: {  	_ =	shalt  }
0x45: {  	_ =	shalt  }
0x46: {  	_ =	shalt  }
0x47: {  	_ =	shalt  }
0x48: {  	_ =	shalt  }
0x49: {  	_ =	shalt  }
0x4a: {  	_ =	shalt  }
0x4b: {  	_ =	shalt  }
0x4c: {  	_ =	shalt  }
0x4d: {  	_ =	shalt  }
0x4e: {  	_ =	shalt  }
0x4f: {  	_ =	shalt  }
0x50: {  	_ =	shalt  }
0x51: {  	_ =	shalt  }
0x52: {  	_ =	shalt  }
0x53: {  	_ =	shalt  }
0x54: {  	_ =	shalt  }
0x55: {  	_ =	shalt  }
0x56: {  	_ =	shalt  }
0x57: {  	_ =	shalt  }
0x58: {  	_ =	shalt  }
0x59: {  	_ =	shalt  }
0x5a: {  	_ =	shalt  }
0x5b: {  	_ =	shalt  }
0x5c: {  	_ =	shalt  }
0x5d: {  	_ =	shalt  }
0x5e: {  	_ =	shalt  }
0x5f: {  	_ =	shalt  }
0x60: {  	_ =	shalt  }
0x61: {  	_ =	shalt  }
0x62: {  	_ =	shalt  }
0x63: {  	_ =	shalt  }
0x64: {  	_ =	shalt  }
0x65: {  	_ =	shalt  }
0x66: {  	_ =	shalt  }
0x67: {  	_ =	shalt  }
0x68: {  	_ =	shalt  }
0x69: {  	_ =	shalt  }
0x6a: {  	_ =	shalt  }
0x6b: {  	_ =	shalt  }
0x6c: {  	_ =	shalt  }
0x6d: {  	_ =	shalt  }
0x6e: {  	_ =	shalt  }
0x6f: {  	_ =	shalt  }
0x70: {  	_ =	shalt  }
0x71: {  	_ =	shalt  }
0x72: {  	_ =	shalt  }
0x73: {  	_ =	shalt  }
0x74: {  	_ =	shalt  }
0x75: {  	_ =	shalt  }
0x76: {  	_ =	shalt  }
0x77: {  	_ =	shalt  }
0x78: {  	_ =	shalt  }
0x79: {  	_ =	shalt  }
0x7a: {  	_ =	shalt  }
0x7b: {  	_ =	shalt  }
0x7c: {  	_ =	shalt  }
0x7d: {  	_ =	shalt  }
0x7e: {  	_ =	shalt  }
0x7f: {  	_ =	shalt  }
0x80: {  	_ =	shalt  }
0x81: {  	_ =	shalt  }
0x82: {  	_ =	shalt  }
0x83: {  	_ =	shalt  }
0x84: {  	_ =	shalt  }
0x85: {  	_ =	shalt  }
0x86: {  	_ =	shalt  }
0x87: {  	_ =	shalt  }
.Lfunc_end0:
.L_simem_size_0:
called_computation.2_lowered:
.L_overlay_start_0:
0x88: {  	s2 =	sld [smem:$0x3FD9]  }
0x89: {  	s3 =	sld [smem:$0x3FFE];
	_ =	sdelay $0x1  }
0x8a: {  	s1 =	srdreg.scid  }
0x8b: {  	s0 =	sand.u32 $0x1, s1  }
0x8c: {  	s16 =	sshll.u32 s0, $0xA;
	s2 =	sadd.s32 s3, s2  }
0x8d: {  	s2 =	sadd.s32 s2, s16  }
0x8e: {  	[smem:$0x3FC6] =	sst s2  }
0x8f: {  	_ = 	snop  }
0x90: {  	(tm) =	ssettm $0x1  }
0x91: {  	s17 =	sld [smem:$0x3FFB];
	_ =	sdelay $0x3  }
0x92: {  	_ =	strace s17  }
0x93: {  	s2 =	sld [smem:$0x3FFC];
	_ =	sdelay $0x3  }
0x94: {  	_ =	strace s2  }
0x95: {  	s2 =	sld [smem:$0x3FFD];
	_ =	sdelay $0x3  }
0x96: {  	_ =	strace s2  }
0x97: {  	_ =	strace $0x8FFFFFFF  }
0x98: {  	s18 =	sld [smem:$0x3FDB];
	_ =	sdelay $0x1  }
0x99: {  	s19 =	simm.s32 $_scs_section_size  }
0x9a: {  	s4 =	simm.s32 $_size__tile_overlayer_lowered;
	s5 =	simm.s32 $_tile_overlayer_lowered  }
0x9b: {  	s22 =	simm.s32 $0x1BFF;
	s21 =	sshll.u32 s5, $0x1;
	s2 =	sadd.s32 s19, s18  }
0x9c: {  	s6 =	simm.s32 $0x0;
	s20 =	sshll.u32 s4, $0x1;
	s4 =	sadd.s32 s21, s2  }
0x9d: {  	[timem:s6], [sflag:s22] =	dma.local [hbm:s4], s20  }
0x9e: {  	_ =	swait.ge [sflag:s22], s20  }
0x9f: {  	s3 =	ssub.s32 $0x0, s20;
	[sflag:s22] =	ssyncset.done $0x0  }
0xa0: {  	[sflag:s22] =	ssyncadd.s32 s3;
	_ =	sdelay $0x1  }
0xa1: {  	s23 =	simm.s32 $0x1B8B  }
0xa2: {  	_ =	swait.ge [sflag:s23], $0x1  }
0xa3: {  	[sflag:s23] =	ssyncset.done $0x0  }
0xa4: {  	s25 =	simm.s32 $0x1B8E;
	s24 =	sld [smem:$0x3FFE];
	[sflag:s23] =	ssyncadd.s32 $0xFFFFFFFF  }
0xa5: {  	s26 =	simm.s32 $execute0_lowered;
	[smem:$0x3FD2] =	sst s25  }
0xa6: {  	s4 =	sshll.u32 s26, $0x1;
	_ =	strace $0x80000046;
	[dreg:$0x1] =	wrdreg $0xFFFFFFFF  }
0xa7: {  	s28 =	simm.s32 $_size_execute0_lowered;
	s2 =	sadd.s32 s2, s4;
	[dreg:$0x0] =	wrdreg $0x0  }
0xa8: {  	s4 =	sshll.u32 s28, $0x1;
	[dreg:$0x2] =	wrdreg s2  }
0xa9: {  	[dreg:$0x3] =	wrdreg s4  }
0xaa: {  	[dreg:$0x4] =	wrdreg $0xC0  }
0xab: {  	_ =	task [dreg:s6], $0x5FFFF  }
0xac: {  	[dreg:$0x1] =	wrdreg $0xFFFFFFFF  }
0xad: {  	[dreg:$0x0] =	wrdreg $0x60  }
0xae: {  	[dreg:$0x2] =	wrdreg s24  }
0xaf: {  	[dreg:$0x3] =	wrdreg $0x9  }
0xb0: {  	_ =	task.clear_ibuf [dreg:s6], $0x4FFFF;
	_ =	strace $0x90000046  }
0xb1: {  	s29 =	simm.s32 $0x9;
	_ =	strace $0x80000048  }
0xb2: {  	_ =	swait.ge [sflag:s29], $0x1  }
0xb3: {  	[sflag:s29] =	ssyncadd.s32 $0xFFFFFFFF  }
0xb4: {  	_ =	strace $0x90000048  }
0xb5: {  	_ =	sfence  }
0xb6: {  	s30 =	sld [smem:$0x0];
	_ =	sdelay $0x2  }
0xb7: {  	s31 =	sshll.u32 s1, $0xD;
	s1 =	sshrl.u32 s1, $0x2  }
0xb8: {  	s3 =	sand.u32 $0x4000, s31;
	s1 =	sadd.s32 s1, s30  }
0xb9: {  	s0 =	sor.u32 s3, s0;
	s1 =	sshll.u32 s1, $0x11  }
0xba: {  	s0 =	sor.u32 s1, s0  }
0xbb: {  	s0 =	sadd.s32 $0x8F2B, s0  }
0xbc: {  	[sflag:s0] =	ssyncadd.remote.s32 $0x1  }
0xbd: {  	_ =	sfence.sel $0xFFFF  }
0xbe: {  	[dreg:$0x0] =	wrdreg $0xFFFFFFFF;
	(pc) =	sbr.abs _section_cstart, $3  }
0xbf: {  	[dreg:$0x1] =	wrdreg $0xFFFFFFFF  }
0xc0: {  	_ =	task.clear_ibuf [dreg:s6], $0x2FFFF;
	_ =	strace $0x9FFFFFFF  }
0xc1: {  	(tm) =	ssettm $0x7FFFFFFF  }
tec
execute0_lowered:
.L_overlay_start_1:
0x0: {  	(tag) =	ssettag $0x1  }
0x1: {  	s1 =	srdreg.scid  }
0x2: {  	s0 =	stileid.u32;
	s4 =	rddreg [dreg:$0x0]  }
0x3: {  	s2 =	simm.s32 $0x0;
	s12 =	simm.s32 $0x3480;
	s13 =	simm.s32 $0x7600  }
0x4: {  	s14 =	simm.s32 $0x3500;
	s15 =	simm.s32 $0xB600;
	s16 =	simm.s32 $0x3580  }
0x5: {  	s17 =	simm.s32 $0xF600;
	s18 =	simm.s32 $0x1;
	s19 =	simm.s32 $0x2  }
0x6: {  	s20 =	simm.s32 $0x3;
	s21 =	simm.s32 $0x4;
	s22 =	simm.s32 $0x5  }
0x7: {  	s23 =	simm.s32 $0x6;
	s24 =	simm.s32 $0x7;
	s25 =	simm.s32 $0x8  }
0x8: {  	s26 =	simm.s32 $0x0;
	s5 =	sand.u32 $0x1, s1;
	s8 =	smul.u32 $0x340000, s0  }
0x9: {  	s3 =	sshll.u32 s0, $0x1;
	s1 =	rddreg [dreg:$0x1];
	s28 =	smul.u32 $0x68000, s0  }
0xa: {  	[smem:$0x7FF] =	sst s2;
	s11 =	sadd.s32 $0xE200, s4;
	s10 =	smul.u32 $0x1A0000, s5  }
0xb: {  	s3 =	sor.u32 s5, s3;
	s7 =	ssub.s32 $0x2, s5;
	s30 =	smul.u32 $0x34000, s5  }
0xc: {  	_ =	strace $0x80000047;
	s3 =	smul.u32 $0x680, s3;
	s9 =	sshrl.u32 s7, $0x1  }
.Ltmp0:
0xd: {  	s31 =	sadd.s32 s28, s11;
	s7 =	ssub.s32 s7, s9;
	(pc) =	sbr.rel .LBB2_1-.Ltmp0, $4  }
0xe: {  	s29 =	sadd.s32 s10, s8;
	s8 =	simm.s32 $0x9;
	s9 =	simm.s32 $0x80  }
0xf: {  	s10 =	simm.s32 $0x3400;
	s6 =	sadd.s32 s3, s4;
	s3 =	sadd.s32 $0xF50600, s4  }
0x10: {  	s5 =	smax.u32 s7, $0x1;
	s4 =	sadd.s32 $0x1200, s6;
	s6 =	sshrl.u32 s29, $0x3  }
0x11: {  	s7 =	sadd.s32 s30, s31;
	s6 =	sadd.s32 s6, s11;
	s11 =	simm.s32 $0x3600  }
.LBB2_4:
0x12: {  	_ =	swait.ge [sflag:s23], $0x4000  }
0x13: {  	[sflag:s23] =	ssyncset.done $0x0  }
0x14: {  	s26 =	sadd.s32 $0x1, s26;
	[sflag:s23] =	ssyncadd.s32 $0xFFFFC000  }
0x15: {  	p0 =	sne.s32 s26, s5;
	_ =	swait.ge [sflag:s24], $0x4000  }
.Ltmp1:
0x16: {  	[sflag:s24] =	ssyncset.done $0x0;
	(pc) =	sbr.rel @!p0 .LBB2_5-.Ltmp1, $4  }
0x17: {  	[sflag:s24] =	ssyncadd.s32 $0xFFFFC000  }
0x18: {  	_ =	swait.ge [sflag:s25], $0x4000  }
0x19: {  	[sflag:s25] =	ssyncset.done $0x0  }
0x1a: {  	[sflag:s25] =	ssyncadd.s32 $0xFFFFC000  }
.LBB2_1:
0x1b: {  	[tilespmem:s2], [sflag:$0x9] =	stream.linear.gather [hbm4b:s4+s2], $0x3400, $0x38;
	[tilespmem:$0x13600] =	vst v63  }
0x1c: {  	_ =	swait.ge [sflag:s8], $0x3400  }
0x1d: {  	[sflag:s8] =	ssyncset.done $0x0  }
0x1e: {  	[sflag:s8] =	ssyncadd.s32 $0xFFFFCC00  }
0x1f: {  	v0 =	vld [tilespmem:$0x0]  }
0x20: {  	v1 =	vld [tilespmem:$0x10]  }
0x21: {  	v2 =	vld [tilespmem:$0x20]  }
0x22: {  	v3 =	vld [tilespmem:$0x30]  }
0x23: {  	v4 =	vld [tilespmem:$0x40]  }
0x24: {  	v5 =	vld [tilespmem:$0x50];
	v0 =	vshrl.u32 v0, $0x2  }
0x25: {  	v11 =	vld [tilespmem:$0x60];
	v10 =	vshrl.u32 v1, $0x2;
	[tilespmem:$0x3400] =	vst v0  }
0x26: {  	v13 =	vld [tilespmem:$0x70];
	v12 =	vshrl.u32 v2, $0x2;
	[tilespmem:$0x3410] =	vst v10  }
0x27: {  	v14 =	vshrl.u32 v3, $0x2;
	[tilespmem:$0x3420] =	vst v12  }
0x28: {  	v15 =	vshrl.u32 v4, $0x2;
	[tilespmem:$0x3430] =	vst v14  }
0x29: {  	v16 =	vshrl.u32 v5, $0x2;
	[tilespmem:$0x3440] =	vst v15  }
0x2a: {  	v17 =	vshrl.u32 v11, $0x2;
	[tilespmem:$0x3450] =	vst v16  }
0x2b: {  	v18 =	vshrl.u32 v13, $0x2;
	[tilespmem:$0x3460] =	vst v17  }
0x2c: {  	[tilespmem:$0x3470] =	vst v18  }
0x2d: {  	[tilespmem:s11], [sflag:$0x1] =	stream.indirect.gather [hbm4b:s3+s9], $0x80, s10, s9, $0xb8;
	[tilespmem:$0x13600] =	vst v63  }
0x2e: {  	v19 =	vld [tilespmem:$0x80]  }
0x2f: {  	v20 =	vld [tilespmem:$0x90]  }
0x30: {  	v21 =	vld [tilespmem:$0xA0]  }
0x31: {  	v22 =	vld [tilespmem:$0xB0]  }
0x32: {  	v23 =	vld [tilespmem:$0xC0]  }
0x33: {  	v24 =	vld [tilespmem:$0xD0];
	v0 =	vshrl.u32 v19, $0x2  }
0x34: {  	v26 =	vld [tilespmem:$0xE0];
	v25 =	vshrl.u32 v20, $0x2;
	[tilespmem:$0x3480] =	vst v0  }
0x35: {  	v28 =	vld [tilespmem:$0xF0];
	v27 =	vshrl.u32 v21, $0x2;
	[tilespmem:$0x3490] =	vst v25  }
0x36: {  	v29 =	vshrl.u32 v22, $0x2;
	[tilespmem:$0x34A0] =	vst v27  }
0x37: {  	v30 =	vshrl.u32 v23, $0x2;
	[tilespmem:$0x34B0] =	vst v29  }
0x38: {  	v31 =	vshrl.u32 v24, $0x2;
	[tilespmem:$0x34C0] =	vst v30  }
0x39: {  	v32 =	vshrl.u32 v26, $0x2;
	[tilespmem:$0x34D0] =	vst v31  }
0x3a: {  	v33 =	vshrl.u32 v28, $0x2;
	[tilespmem:$0x34E0] =	vst v32  }
0x3b: {  	[tilespmem:$0x34F0] =	vst v33  }
0x3c: {  	[tilespmem:s13], [sflag:$0x2] =	stream.indirect.gather [hbm4b:s3+s9], $0x80, s12, s9, $0xb8;
	[tilespmem:$0x13600] =	vst v63  }
0x3d: {  	v34 =	vld [tilespmem:$0x100]  }
0x3e: {  	v35 =	vld [tilespmem:$0x110]  }
0x3f: {  	v36 =	vld [tilespmem:$0x120]  }
0x40: {  	v37 =	vld [tilespmem:$0x130]  }
0x41: {  	v38 =	vld [tilespmem:$0x140]  }
0x42: {  	v39 =	vld [tilespmem:$0x150];
	v0 =	vshrl.u32 v34, $0x2  }
0x43: {  	v41 =	vld [tilespmem:$0x160];
	v40 =	vshrl.u32 v35, $0x2;
	[tilespmem:$0x3500] =	vst v0  }
0x44: {  	v43 =	vld [tilespmem:$0x170];
	v42 =	vshrl.u32 v36, $0x2;
	[tilespmem:$0x3510] =	vst v40  }
0x45: {  	v44 =	vshrl.u32 v37, $0x2;
	[tilespmem:$0x3520] =	vst v42  }
0x46: {  	v45 =	vshrl.u32 v38, $0x2;
	[tilespmem:$0x3530] =	vst v44  }
0x47: {  	v46 =	vshrl.u32 v39, $0x2;
	[tilespmem:$0x3540] =	vst v45  }
0x48: {  	v47 =	vshrl.u32 v41, $0x2;
	[tilespmem:$0x3550] =	vst v46  }
0x49: {  	v48 =	vshrl.u32 v43, $0x2;
	[tilespmem:$0x3560] =	vst v47  }
0x4a: {  	[tilespmem:$0x3570] =	vst v48  }
0x4b: {  	[tilespmem:s15], [sflag:$0x3] =	stream.indirect.gather [hbm4b:s3+s9], $0x80, s14, s9, $0xb8;
	[tilespmem:$0x13600] =	vst v63  }
0x4c: {  	v49 =	vld [tilespmem:$0x180]  }
0x4d: {  	v50 =	vld [tilespmem:$0x190]  }
0x4e: {  	v51 =	vld [tilespmem:$0x1A0]  }
0x4f: {  	v52 =	vld [tilespmem:$0x1B0]  }
0x50: {  	v53 =	vld [tilespmem:$0x1C0]  }
0x51: {  	v54 =	vld [tilespmem:$0x1D0];
	v0 =	vshrl.u32 v49, $0x2  }
0x52: {  	v56 =	vld [tilespmem:$0x1E0];
	v55 =	vshrl.u32 v50, $0x2;
	[tilespmem:$0x3580] =	vst v0  }
0x53: {  	v58 =	vld [tilespmem:$0x1F0];
	v57 =	vshrl.u32 v51, $0x2;
	[tilespmem:$0x3590] =	vst v55  }
0x54: {  	v59 =	vshrl.u32 v52, $0x2;
	[tilespmem:$0x35A0] =	vst v57  }
0x55: {  	v60 =	vshrl.u32 v53, $0x2;
	[tilespmem:$0x35B0] =	vst v59  }
0x56: {  	v61 =	vshrl.u32 v54, $0x2;
	[tilespmem:$0x35C0] =	vst v60  }
0x57: {  	v62 =	vshrl.u32 v56, $0x2;
	[tilespmem:$0x35D0] =	vst v61  }
0x58: {  	v63 =	vshrl.u32 v58, $0x2;
	[tilespmem:$0x35E0] =	vst v62  }
0x59: {  	s28 =	simm.s32 $0x3F0;
	s29 =	simm.s32 $0x0;
	[tilespmem:$0x35F0] =	vst v63  }
0x5a: {  	[tilespmem:s17], [sflag:$0x4] =	stream.indirect.gather [hbm4b:s3+s9], $0x80, s16, s9, $0xb8;
	[tilespmem:$0x13600] =	vst v63  }
.LBB2_2:
0x5b: {  	_ =	swait.ge [sflag:s18], $0x4000  }
0x5c: {  	[sflag:s18] =	ssyncset.done $0x0  }
0x5d: {  	s30 =	sadd.s32 s29, s6;
	[sflag:s18] =	ssyncadd.s32 $0xFFFFC000  }
0x5e: {  	[hbm4b:s30+s2] =	stream.linear.scatter [tilespmem:s11], [sflag:$0x5], $0x4000, $0x38;
	[tilespmem:$0x13600] =	vst v63  }
0x5f: {  	_ =	swait.ge [sflag:s19], $0x4000  }
0x60: {  	s30 =	sadd.s32 s29, s7;
	[sflag:s19] =	ssyncset.done $0x0  }
0x61: {  	s31 =	sadd.s32 $0x800, s30;
	[sflag:s19] =	ssyncadd.s32 $0xFFFFC000  }
0x62: {  	[hbm4b:s31+s2] =	stream.linear.scatter [tilespmem:s13], [sflag:$0x6], $0x4000, $0x38;
	[tilespmem:$0x13600] =	vst v63  }
0x63: {  	_ =	swait.ge [sflag:s20], $0x4000  }
0x64: {  	[sflag:s20] =	ssyncset.done $0x0  }
0x65: {  	s31 =	sadd.s32 $0x1000, s30;
	[sflag:s20] =	ssyncadd.s32 $0xFFFFC000  }
0x66: {  	[hbm4b:s31+s2] =	stream.linear.scatter [tilespmem:s15], [sflag:$0x7], $0x4000, $0x38;
	[tilespmem:$0x13600] =	vst v63  }
0x67: {  	_ =	swait.ge [sflag:s21], $0x4000  }
0x68: {  	p0 =	seq.s32 s29, $0x32000;
	[sflag:s21] =	ssyncset.done $0x0  }
.Ltmp2:
0x69: {  	s30 =	sadd.s32 $0x1800, s30;
	[sflag:s21] =	ssyncadd.s32 $0xFFFFC000;
	(pc) =	sbr.rel @p0 .LBB2_4-.Ltmp2, $4  }
0x6a: {  	[hbm4b:s30+s2] =	stream.linear.scatter [tilespmem:s17], [sflag:$0x8], $0x4000, $0x38;
	[tilespmem:$0x13600] =	vst v63  }
0x6b: {  	_ =	swait.ge [sflag:s22], $0x4000  }
0x6c: {  	[sflag:s22] =	ssyncset.done $0x0  }
0x6d: {  	[sflag:s22] =	ssyncadd.s32 $0xFFFFC000  }
0x6e: {  	v0 =	vld [tilespmem:s28+$0xFFFFFE10];
	_ =	sdelay $0x4  }
0x6f: {  	v0 =	vshrl.u32 v0, $0x2  }
0x70: {  	[tilespmem:$0x3400] =	vst v0  }
0x71: {  	v0 =	vld [tilespmem:s28+$0xFFFFFE20];
	_ =	sdelay $0x4  }
0x72: {  	v0 =	vshrl.u32 v0, $0x2  }
0x73: {  	[tilespmem:$0x3410] =	vst v0  }
0x74: {  	v0 =	vld [tilespmem:s28+$0xFFFFFE30];
	_ =	sdelay $0x4  }
0x75: {  	v0 =	vshrl.u32 v0, $0x2  }
0x76: {  	[tilespmem:$0x3420] =	vst v0  }
0x77: {  	v0 =	vld [tilespmem:s28+$0xFFFFFE40];
	_ =	sdelay $0x4  }
0x78: {  	v0 =	vshrl.u32 v0, $0x2  }
0x79: {  	[tilespmem:$0x3430] =	vst v0  }
0x7a: {  	v0 =	vld [tilespmem:s28+$0xFFFFFE50];
	_ =	sdelay $0x4  }
0x7b: {  	v0 =	vshrl.u32 v0, $0x2  }
0x7c: {  	[tilespmem:$0x3440] =	vst v0  }
0x7d: {  	v0 =	vld [tilespmem:s28+$0xFFFFFE60];
	_ =	sdelay $0x4  }
0x7e: {  	v0 =	vshrl.u32 v0, $0x2  }
0x7f: {  	[tilespmem:$0x3450] =	vst v0  }
0x80: {  	v0 =	vld [tilespmem:s28+$0xFFFFFE70];
	_ =	sdelay $0x4  }
0x81: {  	v0 =	vshrl.u32 v0, $0x2  }
0x82: {  	[tilespmem:$0x3460] =	vst v0  }
0x83: {  	v0 =	vld [tilespmem:s28+$0xFFFFFE80];
	_ =	sdelay $0x4  }
0x84: {  	v0 =	vshrl.u32 v0, $0x2  }
0x85: {  	[tilespmem:$0x3470] =	vst v0  }
0x86: {  	[tilespmem:s11], [sflag:$0x1] =	stream.indirect.gather [hbm4b:s3+s9], $0x80, s10, s9, $0xb8;
	[tilespmem:$0x13600] =	vst v63  }
0x87: {  	_ =	swait.ge [sflag:s23], $0x4000  }
0x88: {  	[sflag:s23] =	ssyncset.done $0x0  }
0x89: {  	[sflag:s23] =	ssyncadd.s32 $0xFFFFC000  }
0x8a: {  	v61 =	vld [tilespmem:s28+$0xFFFFFE90];
	_ =	sdelay $0x4  }
0x8b: {  	v0 =	vshrl.u32 v61, $0x2  }
0x8c: {  	[tilespmem:$0x3480] =	vst v0  }
0x8d: {  	v0 =	vld [tilespmem:s28+$0xFFFFFEA0];
	_ =	sdelay $0x4  }
0x8e: {  	v0 =	vshrl.u32 v0, $0x2  }
0x8f: {  	[tilespmem:$0x3490] =	vst v0  }
0x90: {  	v0 =	vld [tilespmem:s28+$0xFFFFFEB0];
	_ =	sdelay $0x4  }
0x91: {  	v0 =	vshrl.u32 v0, $0x2  }
0x92: {  	[tilespmem:$0x34A0] =	vst v0  }
0x93: {  	v0 =	vld [tilespmem:s28+$0xFFFFFEC0];
	_ =	sdelay $0x4  }
0x94: {  	v0 =	vshrl.u32 v0, $0x2  }
0x95: {  	[tilespmem:$0x34B0] =	vst v0  }
0x96: {  	v0 =	vld [tilespmem:s28+$0xFFFFFED0];
	_ =	sdelay $0x4  }
0x97: {  	v0 =	vshrl.u32 v0, $0x2  }
0x98: {  	[tilespmem:$0x34C0] =	vst v0  }
0x99: {  	v0 =	vld [tilespmem:s28+$0xFFFFFEE0];
	_ =	sdelay $0x4  }
0x9a: {  	v0 =	vshrl.u32 v0, $0x2  }
0x9b: {  	[tilespmem:$0x34D0] =	vst v0  }
0x9c: {  	v0 =	vld [tilespmem:s28+$0xFFFFFEF0];
	_ =	sdelay $0x4  }
0x9d: {  	v0 =	vshrl.u32 v0, $0x2  }
0x9e: {  	[tilespmem:$0x34E0] =	vst v0  }
0x9f: {  	v0 =	vld [tilespmem:s28+$0xFFFFFF00];
	_ =	sdelay $0x4  }
0xa0: {  	v0 =	vshrl.u32 v0, $0x2  }
0xa1: {  	[tilespmem:$0x34F0] =	vst v0  }
0xa2: {  	[tilespmem:s13], [sflag:$0x2] =	stream.indirect.gather [hbm4b:s3+s9], $0x80, s12, s9, $0xb8;
	[tilespmem:$0x13600] =	vst v63  }
0xa3: {  	_ =	swait.ge [sflag:s24], $0x4000  }
0xa4: {  	[sflag:s24] =	ssyncset.done $0x0  }
0xa5: {  	[sflag:s24] =	ssyncadd.s32 $0xFFFFC000  }
0xa6: {  	v62 =	vld [tilespmem:s28+$0xFFFFFF10];
	_ =	sdelay $0x4  }
0xa7: {  	v0 =	vshrl.u32 v62, $0x2  }
0xa8: {  	[tilespmem:$0x3500] =	vst v0  }
0xa9: {  	v0 =	vld [tilespmem:s28+$0xFFFFFF20];
	_ =	sdelay $0x4  }
0xaa: {  	v0 =	vshrl.u32 v0, $0x2  }
0xab: {  	[tilespmem:$0x3510] =	vst v0  }
0xac: {  	v0 =	vld [tilespmem:s28+$0xFFFFFF30];
	_ =	sdelay $0x4  }
0xad: {  	v0 =	vshrl.u32 v0, $0x2  }
0xae: {  	[tilespmem:$0x3520] =	vst v0  }
0xaf: {  	v0 =	vld [tilespmem:s28+$0xFFFFFF40];
	_ =	sdelay $0x4  }
0xb0: {  	v0 =	vshrl.u32 v0, $0x2  }
0xb1: {  	[tilespmem:$0x3530] =	vst v0  }
0xb2: {  	v0 =	vld [tilespmem:s28+$0xFFFFFF50];
	_ =	sdelay $0x4  }
0xb3: {  	v0 =	vshrl.u32 v0, $0x2  }
0xb4: {  	[tilespmem:$0x3540] =	vst v0  }
0xb5: {  	v0 =	vld [tilespmem:s28+$0xFFFFFF60];
	_ =	sdelay $0x4  }
0xb6: {  	v0 =	vshrl.u32 v0, $0x2  }
0xb7: {  	[tilespmem:$0x3550] =	vst v0  }
0xb8: {  	v0 =	vld [tilespmem:s28+$0xFFFFFF70];
	_ =	sdelay $0x4  }
0xb9: {  	v0 =	vshrl.u32 v0, $0x2  }
0xba: {  	[tilespmem:$0x3560] =	vst v0  }
0xbb: {  	v0 =	vld [tilespmem:s28+$0xFFFFFF80];
	_ =	sdelay $0x4  }
0xbc: {  	v0 =	vshrl.u32 v0, $0x2  }
0xbd: {  	[tilespmem:$0x3570] =	vst v0  }
0xbe: {  	[tilespmem:s15], [sflag:$0x3] =	stream.indirect.gather [hbm4b:s3+s9], $0x80, s14, s9, $0xb8;
	[tilespmem:$0x13600] =	vst v63  }
0xbf: {  	_ =	swait.ge [sflag:s25], $0x4000  }
0xc0: {  	[sflag:s25] =	ssyncset.done $0x0  }
0xc1: {  	[sflag:s25] =	ssyncadd.s32 $0xFFFFC000  }
0xc2: {  	v63 =	vld [tilespmem:s28+$0xFFFFFF90];
	_ =	sdelay $0x4  }
0xc3: {  	v0 =	vshrl.u32 v63, $0x2  }
0xc4: {  	[tilespmem:$0x3580] =	vst v0  }
0xc5: {  	v0 =	vld [tilespmem:s28+$0xFFFFFFA0];
	_ =	sdelay $0x4  }
0xc6: {  	v0 =	vshrl.u32 v0, $0x2  }
0xc7: {  	[tilespmem:$0x3590] =	vst v0  }
0xc8: {  	v0 =	vld [tilespmem:s28+$0xFFFFFFB0];
	_ =	sdelay $0x4  }
0xc9: {  	v0 =	vshrl.u32 v0, $0x2  }
0xca: {  	[tilespmem:$0x35A0] =	vst v0  }
0xcb: {  	v0 =	vld [tilespmem:s28+$0xFFFFFFC0];
	_ =	sdelay $0x4  }
0xcc: {  	v0 =	vshrl.u32 v0, $0x2  }
0xcd: {  	[tilespmem:$0x35B0] =	vst v0  }
0xce: {  	v0 =	vld [tilespmem:s28+$0xFFFFFFD0];
	_ =	sdelay $0x4  }
0xcf: {  	v0 =	vshrl.u32 v0, $0x2  }
0xd0: {  	[tilespmem:$0x35C0] =	vst v0  }
0xd1: {  	v0 =	vld [tilespmem:s28+$0xFFFFFFE0];
	_ =	sdelay $0x4  }
0xd2: {  	v0 =	vshrl.u32 v0, $0x2  }
0xd3: {  	[tilespmem:$0x35D0] =	vst v0  }
0xd4: {  	v0 =	vld [tilespmem:s28+$0xFFFFFFF0];
	_ =	sdelay $0x4  }
0xd5: {  	v0 =	vshrl.u32 v0, $0x2  }
0xd6: {  	[tilespmem:$0x35E0] =	vst v0  }
0xd7: {  	v0 =	vld [tilespmem:s28+$0x0];
	_ =	sdelay $0x2  }
.Ltmp3:
0xd8: {  	_ = 	snop;
	(pc) =	sbr.rel .LBB2_2-.Ltmp3, $4  }
0xd9: {  	_ = 	snop  }
0xda: {  	v0 =	vshrl.u32 v0, $0x2  }
0xdb: {  	s29 =	sadd.s32 $0x2000, s29;
	s28 =	sadd.s32 $0x200, s28;
	[tilespmem:$0x35F0] =	vst v0  }
0xdc: {  	[tilespmem:s17], [sflag:$0x4] =	stream.indirect.gather [hbm4b:s3+s9], $0x80, s16, s9, $0xb8;
	[tilespmem:$0x13600] =	vst v63  }
.LBB2_5:
0xdd: {  	_ =	sfence.sel $0x180000  }
0xde: {  	[bflag:$0x0] =	sbarrier.arrive $0xFFFF  }
0xdf: {  	p0 =	sne.s32 s0, $0x0;
	_ =	strace $0x90000047  }
0xe0: {  	s0 =	sadd.s32 @!p0 $0x100000, s1;
	[bflag:$0x2] =	sbarrier.arrive $0xFFFF  }
0xe1: {  	[sflag:s0] =	ssyncadd.tile.s32 @!p0 $0x1;
	_ =	shalt  }
.Lfunc_end2:
_tile_overlayer_lowered:
.L_overlay_start_2:
0xe2: {  	(tag) =	ssettag $0x2  }
0xe3: {  	s0 =	rddreg [dreg:$0x0];
	s2 =	stileid.u32  }
0xe4: {  	s1 =	rddreg [dreg:$0x1];
	p0 =	sne.s32 s2, $0x0  }
0xe5: {  	s3 =	rddreg [dreg:$0x2];
	[bflag:$0x3] =	sbarrier.arrive $0xFFFF;
	s2 =	simm.s32 @!p0 $0x1C09  }
0xe6: {  	[timem:s3], [sflag:s2] =	dma.local @!p0 [hbm:s0], s1  }
0xe7: {  	s0 =	simm.s32 @!p0 $0x9  }
0xe8: {  	_ =	swait.ge @!p0 [sflag:s0], s1  }
0xe9: {  	s1 =	ssub.s32 @!p0 $0x0, s1;
	[sflag:s0] =	ssyncset.done @!p0 $0x0  }
0xea: {  	[sflag:s0] =	ssyncadd.s32 @!p0 s1  }
0xeb: {  	[bflag:$0x3] =	sbarrier.arrive $0xFFFF  }
0xec: {  	_ =	shalt  }

// kernel: sparse-core-data-format-call.cloned.1.call-start
scs
called_computation_lowered:
.L_overlay_start_0:
0x0: {  	s2 =	sld [smem:$0x3FD9]  }
0x1: {  	s3 =	sld [smem:$0x3FFE];
	_ =	sdelay $0x1  }
0x2: {  	s1 =	srdreg.scid  }
0x3: {  	s0 =	sand.u32 $0x1, s1  }
0x4: {  	s18 =	sshll.u32 s0, $0xA;
	s2 =	sadd.s32 s3, s2  }
0x5: {  	s2 =	sadd.s32 s2, s18  }
0x6: {  	[smem:$0x3FC6] =	sst s2  }
0x7: {  	_ = 	snop  }
0x8: {  	s2 =	sld [smem:$0x3FD0];
	(tm) =	ssettm $0x1  }
0x9: {  	s19 =	sld [smem:$0x3FFB];
	_ =	sdelay $0x3  }
0xa: {  	_ =	strace s19  }
0xb: {  	s3 =	sld [smem:$0x3FFC];
	_ =	sdelay $0x3  }
0xc: {  	_ =	strace s3  }
0xd: {  	s3 =	sld [smem:$0x3FFD];
	_ =	sdelay $0x3  }
0xe: {  	_ =	strace s3  }
0xf: {  	_ =	strace $0x8FFFFFFF  }
0x10: {  	s20 =	sld [smem:$0x3FDB];
	_ =	sdelay $0x1  }
0x11: {  	s4 =	simm.s32 $_scs_section_size  }
0x12: {  	s5 =	simm.s32 $_size__tile_overlayer_lowered;
	s6 =	simm.s32 $_tile_overlayer_lowered  }
0x13: {  	s23 =	simm.s32 $0x1BFF;
	s22 =	sshll.u32 s6, $0x1;
	s3 =	sadd.s32 s4, s20  }
0x14: {  	s7 =	simm.s32 $0x0;
	s21 =	sshll.u32 s5, $0x1;
	s5 =	sadd.s32 s22, s3  }
0x15: {  	[timem:s7], [sflag:s23] =	dma.local [hbm:s5], s21  }
0x16: {  	_ =	swait.ge [sflag:s23], s21  }
0x17: {  	s4 =	ssub.s32 $0x0, s21;
	[sflag:s23] =	ssyncset.done $0x0  }
0x18: {  	[sflag:s23] =	ssyncadd.s32 s4;
	_ =	sdelay $0x1  }
0x19: {  	s24 =	simm.s32 $0x1B8B  }
0x1a: {  	_ =	swait.ge [sflag:s24], $0x1  }
0x1b: {  	[sflag:s24] =	ssyncset.done $0x0  }
0x1c: {  	s26 =	simm.s32 $0x1B8E;
	s25 =	sld [smem:$0x3FFE];
	[sflag:s24] =	ssyncadd.s32 $0xFFFFFFFF  }
0x1d: {  	s27 =	simm.s32 $execute0_lowered;
	[smem:$0x3FD2] =	sst s26  }
0x1e: {  	s5 =	sshll.u32 s27, $0x1;
	_ =	strace $0x8000004C;
	[dreg:$0x1] =	wrdreg $0xFFFFFFFF  }
0x1f: {  	s28 =	simm.s32 $_size_execute0_lowered;
	s3 =	sadd.s32 s3, s5;
	[dreg:$0x0] =	wrdreg $0x0  }
0x20: {  	s5 =	sshll.u32 s28, $0x1;
	[dreg:$0x2] =	wrdreg s3  }
0x21: {  	[dreg:$0x3] =	wrdreg s5  }
0x22: {  	[dreg:$0x4] =	wrdreg $0xC0  }
0x23: {  	_ =	task [dreg:s7], $0x5FFFF  }
0x24: {  	[dreg:$0x1] =	wrdreg $0xFFFFFFFF  }
0x25: {  	[dreg:$0x0] =	wrdreg $0x60  }
0x26: {  	[dreg:$0x2] =	wrdreg s25  }
0x27: {  	[dreg:$0x3] =	wrdreg s2  }
0x28: {  	[dreg:$0x4] =	wrdreg $0x9  }
0x29: {  	_ =	task.clear_ibuf [dreg:s7], $0x5FFFF;
	_ =	strace $0x9000004C  }
0x2a: {  	s29 =	simm.s32 $0x9;
	_ =	strace $0x8000004E  }
0x2b: {  	_ =	swait.ge [sflag:s29], $0x1  }
0x2c: {  	[sflag:s29] =	ssyncadd.s32 $0xFFFFFFFF  }
0x2d: {  	_ =	strace $0x9000004E  }
0x2e: {  	_ =	sfence  }
0x2f: {  	s30 =	sld [smem:$0x0];
	_ =	sdelay $0x2  }
0x30: {  	s31 =	sshll.u32 s1, $0xD;
	s1 =	sshrl.u32 s1, $0x2  }
0x31: {  	s3 =	sand.u32 $0x4000, s31;
	s1 =	sadd.s32 s1, s30  }
0x32: {  	s0 =	sor.u32 s3, s0;
	s1 =	sshll.u32 s1, $0x11  }
0x33: {  	s0 =	sor.u32 s1, s0  }
0x34: {  	s0 =	sadd.s32 $0x8F2B, s0  }
0x35: {  	[sflag:s0] =	ssyncadd.remote.s32 $0x1  }
0x36: {  	_ =	sfence.sel $0xFFFF  }
0x37: {  	[dreg:$0x0] =	wrdreg $0xFFFFFFFF;
	(pc) =	sbr.abs _section_cstart, $3  }
0x38: {  	[dreg:$0x1] =	wrdreg $0xFFFFFFFF  }
0x39: {  	_ =	task.clear_ibuf [dreg:s7], $0x2FFFF;
	_ =	strace $0x9FFFFFFF  }
0x3a: {  	(tm) =	ssettm $0x7FFFFFFF  }
0x3b: {  	_ =	shalt  }
tec
execute0_lowered:
.L_overlay_start_1:
0x0: {  	(tag) =	ssettag $0x1  }
0x1: {  	s0 =	srdreg.scid  }
0x2: {  	s1 =	sshll.u32 s0, $0x4  }
0x3: {  	s0 =	stileid.u32;
	s1 =	sand.u32 $0x10, s1  }
0x4: {  	s1 =	sor.u32 s0, s1  }
0x5: {  	s6 =	rddreg [dreg:$0x0];
	s4 =	simm.s32 $0x1;
	s2 =	sshll.u32 s1, $0x7  }
0x6: {  	s7 =	simm.s32 $0x2;
	s12 =	simm.s32 $0x0;
	s1 =	ssub.s32 $0x4000, s2  }
0x7: {  	s8 =	simm.s32 $0x20000;
	s13 =	simm.s32 $0x0;
	s3 =	sand.u32 $0xF80, s1  }
0x8: {  	s9 =	simm.s32 $0x0;
	s5 =	sshrl.u32 s1, $0xC;
	p0 =	sne.s32 s3, $0x0  }
.Ltmp0:
0x9: {  	s1 =	rddreg [dreg:$0x2];
	s4 =	simm.s32 @!p0 $0x0;
	(pc) =	sbr.rel .LBB1_1-.Ltmp0, $4  }
0xa: {  	s11 =	simm.s32 $0x0;
	s3 =	rddreg [dreg:$0x1];
	s5 =	sadd.s32 s4, s5  }
0xb: {  	_ =	strace $0x8000004D;
	s4 =	simm.s32 $0x1;
	s5 =	smul.u32 $0x1A, s5  }
0xc: {  	s6 =	sadd.s32 $0x86E200, s6;
	s10 =	smov.u32 s2;
	[sflag:s4] =	ssyncpa.u1 $0x0  }
0xd: {  	p0 =	por $0x0, $0x0;
	[sflag:s7] =	ssyncpa.u1 $0x0;
	s7 =	sor.u32 $0x1, s5  }
.LBB1_4:
0xe: {  	s16 =	sshll.u32 s13, $0x3;
	s17 =	sand.u32 $0x78, s13  }
0xf: {  	s30 =	sand.u32 $0xF800, s13;
	s12 =	sshll.u32 s12, $0x10;
	s16 =	sand.u32 $0x3C00, s16  }
0x10: {  	s31 =	sand.u32 $0x7, s13;
	s16 =	sor.u32 s17, s16;
	s17 =	sadd.s32 s3, s30  }
0x11: {  	s13 =	sshll.u32 s31, $0x12;
	s16 =	sshrl.u32 s16, $0x3;
	s12 =	sadd.s32 s12, s17  }
0x12: {  	[tilespmem:s15+$0x0 ss:$0x81] =	vst.msk $0xffff, v0;
	s13 =	sor.u32 $0x400, s13;
	s12 =	sadd.s32 s16, s12  }
0x13: {  	[hbm4b:s12+s13] =	stream.strided.scatter [tilespmem:s14], [sflag:$0x2], $0x1000, s8, s13, $0x20;
	[tilespmem:$0x4040] =	vst v63  }
.LBB1_5:
0x14: {  	s14 =	sadd.s32 $0x1, s9  }
0x15: {  	s12 =	sadd.s32 $0x1000, s10;
	s16 =	smov.u32 s10;
	p2 =	sgt.s32 s14, $0x19  }
0x16: {  	s16 =	smov.u32 @p2 s12  }
0x17: {  	s14 =	simm.s32 @p2 $0x0;
	p2 =	sgt.s32 s16, $0x3FFF  }
0x18: {  	s16 =	smov.u32 @p2 s2;
	p2 =	sne.s32 s11, s7  }
.Ltmp1:
0x19: {  	p1 =	slt.u32 s11, $0x2;
	(pc) =	sbr.rel @!p2 .LBB1_6-.Ltmp1, $4  }
0x1a: {  	s15 =	simm.s32 @!p1 $0x2  }
0x1b: {  	s13 =	smov.u32 s10;
	p0 =	por !p0, !p0;
	_ =	swait.ge @!p1 [sflag:s15], $0x1000  }
0x1c: {  	s12 =	smov.u32 s9;
	[sflag:s15] =	ssyncset.done @!p1 $0x0;
	s9 =	smov.u32 s14  }
0x1d: {  	s11 =	sadd.s32 $0x1, s11;
	[sflag:s15] =	ssyncadd.s32 @!p1 $0xFFFFF000;
	s10 =	smov.u32 s16  }
.LBB1_1:
0x1e: {  	p1 =	sge.u32 s11, s5  }
0x1f: {  	s31 =	sadd.s32 $0xFFFFFFFF, s11;
	s14 =	sxor.u32 @!p1 $0xFFFFFFFF, s11  }
0x20: {  	s15 =	sshll.u32 @!p1 s10, $0x9;
	s16 =	sshll.u32 @!p1 s9, $0x4;
	s17 =	simm.s32 @!p1 $0x1000  }
0x21: {  	s14 =	sshll.u32 @!p1 s14, $0xC;
	s16 =	sand.u32 @!p1 $0x1F0, s16;
	s15 =	sadd.s32 @!p1 s6, s15  }
0x22: {  	s14 =	sand.u32 @!p1 $0x1000, s14;
	s15 =	sadd.s32 @!p1 s16, s15;
	s16 =	simm.s32 @!p1 $0x20  }
0x23: {  	[tilespmem:s14], [sflag:$0x1] =	stream.strided.gather @!p1 [hbm4b:s15+s16], $0x1000, s17, s16, $0x38;
	[tilespmem:$0x4040] =	vst v63  }
0x24: {  	p1 =	sge.u32 s31, s5  }
.Ltmp2:
0x25: {  	_ = 	snop;
	(pc) =	sbr.rel @p1 .LBB1_5-.Ltmp2, $1  }
0x26: {  	_ =	sdelay $0x3  }
0x27: {  	s14 =	simm.s32 $0x1  }
0x28: {  	_ =	swait.ge [sflag:s4], $0x1000;
	s14 =	simm.s32 @!p0 $0x0  }
0x29: {  	[sflag:s4] =	ssyncset.done $0x0;
	s15 =	sshll.u32 s14, $0xC  }
0x2a: {  	[sflag:s4] =	ssyncadd.s32 $0xFFFFF000;
	s18 =	sor.u32 $0x10, s15  }
0x2b: {  	s14 =	smul.u32 $0x4080, s14;
	v1 =	vld [tilespmem:s18+$0x0]  }
0x2c: {  	s30 =	sand.u32 $0x1, s11;
	v0 =	vld [tilespmem:s18+$0xFFFFFFF0]  }
0x2d: {  	s15 =	smul.u32 $0x4080, s30;
	s14 =	sshrl.u32 s14, $0x2  }
0x2e: {  	s16 =	sor.u32 $0x2000, s14  }
0x2f: {  	s31 =	sshrl.u32 s15, $0x2;
	s15 =	sadd.s32 $0x0, s16  }
0x30: {  	s17 =	simm.s32 $0x4;
	s18 =	sadd.s32 $0x20, s18;
	s14 =	sor.u32 $0x2000, s31;
	[tilespmem:s15+$0x810 ss:$0x81] =	vst.msk $0xffff, v1  }
.LBB1_3:
0x31: {  	v1 =	vld [tilespmem:s18+$0x0];
	p1 =	sne.s32 s17, $0x1FC;
	[tilespmem:s15+$0x0 ss:$0x81] =	vst.msk $0xffff, v0;
	s15 =	smov.u32 s17;
	s17 =	sadd.s32 $0x4, s17  }
.Ltmp3:
0x32: {  	v0 =	vld [tilespmem:s18+$0xFFFFFFF0];
	(pc) =	sbr.rel @p1 .LBB1_3-.Ltmp3, $4  }
0x33: {  	_ = 	snop  }
0x34: {  	s15 =	sshra.s32 s15, $0x2  }
0x35: {  	s15 =	sadd.s32 s15, s16  }
0x36: {  	s18 =	sadd.s32 $0x20, s18;
	[tilespmem:s15+$0x810 ss:$0x81] =	vst.msk $0xffff, v1  }
.Ltmp4:
0x37: {  	_ = 	snop;
	(pc) =	sbr.rel .LBB1_4-.Ltmp4, $1  }
0x38: {  	_ =	sdelay $0x3  }
.LBB1_6:
0x39: {  	_ =	sfence.sel $0x180000  }
0x3a: {  	s2 =	simm.s32 $0x1;
	[bflag:$0x0] =	sbarrier.arrive $0xFFFF  }
0x3b: {  	s31 =	simm.s32 $0x2;
	[sflag:s2] =	ssyncpa.u1 $0x1  }
0x3c: {  	[sflag:s31] =	ssyncpa.u1 $0x1  }
0x3d: {  	p0 =	sne.s32 s0, $0x0;
	_ =	strace $0x9000004D  }
0x3e: {  	s0 =	sadd.s32 @!p0 $0x100000, s1;
	[bflag:$0x2] =	sbarrier.arrive $0xFFFF  }
0x3f: {  	[sflag:s0] =	ssyncadd.tile.s32 @!p0 $0x1;
	_ =	shalt  }
.Lfunc_end1:
_tile_overlayer_lowered:
.L_overlay_start_2:
0x40: {  	(tag) =	ssettag $0x2  }
0x41: {  	s0 =	rddreg [dreg:$0x0];
	s2 =	stileid.u32  }
0x42: {  	s1 =	rddreg [dreg:$0x1];
	p0 =	sne.s32 s2, $0x0  }
0x43: {  	s3 =	rddreg [dreg:$0x2];
	[bflag:$0x3] =	sbarrier.arrive $0xFFFF;
	s2 =	simm.s32 @!p0 $0x1C01  }
0x44: {  	[timem:s3], [sflag:s2] =	dma.local @!p0 [hbm:s0], s1  }
0x45: {  	s0 =	simm.s32 @!p0 $0x1  }
0x46: {  	_ =	swait.ge @!p0 [sflag:s0], s1  }
0x47: {  	s1 =	ssub.s32 @!p0 $0x0, s1;
	[sflag:s0] =	ssyncset.done @!p0 $0x0  }
0x48: {  	[sflag:s0] =	ssyncadd.s32 @!p0 s1  }
0x49: {  	[bflag:$0x3] =	sbarrier.arrive $0xFFFF  }
0x4a: {  	_ =	shalt  }

</sc_bundles>
